<compile_context>
chip_gen: v7x
topology: tpu7x:2x2x1
jax: 0.10.2.dev20260603
libtpu: 0.0.44.dev20260713+nightly
codegen_flags: <defaults>
</compile_context>

<pallas_src>
import functools

import jax
import jax.numpy as jnp
from jax import lax
from jax.experimental import pallas as pl
from jax.experimental.pallas import tpu as pltpu
from jax.experimental.pallas import tpu_sc as plsc

_B = 16384
_EMB = 64
_FEAT = 128
_FCH = 128


def _gather_fn(tid_hbm, nid_hbm, feat0_hbm, emb_hbm, out_feat, out_emb,
               tidx_v, nidx_v, feat_v, obuf, sem_g, sem_e, nc, bpw):
    wid = lax.axis_index("s") * nc + lax.axis_index("c")
    base = wid * bpw

    pltpu.sync_copy(tid_hbm.at[pl.ds(base, bpw)], tidx_v)
    pltpu.sync_copy(nid_hbm.at[pl.ds(base, bpw)], nidx_v)

    def body(i, _):
        vec = nidx_v[pl.ds(i * 16, 16)]
        for lane in range(16):
            idx = vec[lane]
            r = i * 16 + lane
            pltpu.async_copy(emb_hbm.at[idx], obuf.at[r], sem_e)
        return 0
    lax.fori_loop(0, bpw // 16, body, 0)

    half = bpw // 2
    for h in range(2):
        fcopies = []
        for c in range(half // _FCH):
            fcopies.append(pltpu.async_copy(
                feat0_hbm.at[tidx_v.at[pl.ds(h * half + c * _FCH, _FCH)]],
                feat_v.at[pl.ds(c * _FCH, _FCH)], sem_g))
        for cp in fcopies:
            cp.wait()
        pltpu.sync_copy(feat_v, out_feat.at[pl.ds(base + h * half, half)])

    pltpu.make_async_copy(emb_hbm.at[pl.ds(0, bpw)], obuf, sem_e).wait()
    pltpu.sync_copy(obuf, out_emb.at[pl.ds(base, bpw)])


def _tc_merge_fn(feat_ref, emb_ref, tid_ref, proj_ref, out_ref):
    proj = jnp.dot(feat_ref[...], proj_ref[...],
                   preferred_element_type=jnp.float32)
    mask = tid_ref[...] == 0
    out_ref[...] = jnp.where(mask, proj, emb_ref[...])


def kernel(node_ids, node_tids, type_ids, feat0, proj0, node_emb_table):
    info = plsc.get_sparse_core_info()
    nc, ns = info.num_cores, info.num_subcores
    nw = nc * ns
    bpw = _B // nw

    mesh = plsc.VectorSubcoreMesh(core_axis_name="c", subcore_axis_name="s")

    gather = functools.partial(
        pl.kernel, mesh=mesh,
        out_type=(
            jax.ShapeDtypeStruct((_B, _FEAT), jnp.float32),
            jax.ShapeDtypeStruct((_B, _EMB), jnp.float32),
        ),
        scratch_types=[
            pltpu.VMEM((bpw,), jnp.int32),
            pltpu.VMEM((bpw,), jnp.int32),
            pltpu.VMEM((bpw // 2, _FEAT), jnp.float32),
            pltpu.VMEM((bpw, _EMB), jnp.float32),
            pltpu.SemaphoreType.DMA,
            pltpu.SemaphoreType.DMA,
        ],
        compiler_params=pltpu.CompilerParams(use_tc_tiling_on_sc=True),
    )(functools.partial(_gather_fn, nc=nc, bpw=bpw))

    feat_rows, emb_rows = gather(type_ids, node_ids, feat0, node_emb_table)

    blk = 1024
    out = pl.pallas_call(
        _tc_merge_fn,
        grid=(_B // blk,),
        in_specs=[
            pl.BlockSpec((blk, _FEAT), lambda i: (i, 0)),
            pl.BlockSpec((blk, _EMB), lambda i: (i, 0)),
            pl.BlockSpec((blk, 1), lambda i: (i, 0)),
            pl.BlockSpec((_FEAT, _EMB), lambda i: (0, 0)),
        ],
        out_specs=pl.BlockSpec((blk, _EMB), lambda i: (i, 0)),
        out_shape=jax.ShapeDtypeStruct((_B, _EMB), jnp.float32),
    )(feat_rows, emb_rows, node_tids.reshape(_B, 1), proj0)
    return out

# --- scband reference (transcript-rebuilt; emitter-appended) ---
"""Pipeline reference for scband-rel-graph-embed-layer-34368328303102 (READ-ONLY COPY).

The authoritative reference and input builder live on the scoring server;
editing this copy changes nothing except your own understanding.
"""

import jax, jax.numpy as jnp
import numpy as np

NUM_NODES = 1000000
NUM_TYPE0 = 100000
EMB = 64
FEAT = 128
B = 16384
NUM_NTYPES = 3


def setup_inputs(seed: int = 0) -> dict:
    key = jax.random.key(seed)
    k1, k2, k3, k4, k5, k6 = jax.random.split(key, 6)
    node_ids = jax.random.randint(k1, (B,), 0, NUM_NODES)
    node_tids = jax.random.randint(k2, (B,), 0, NUM_NTYPES)
    type_ids = jax.random.randint(k3, (B,), 0, NUM_TYPE0)
    # inputs[0]: raw features for ntype 0; ntypes 1,2 have inputs=None -> learned node embeddings
    feat0 = jax.random.normal(k4, (NUM_TYPE0, FEAT), dtype=jnp.float32)
    # xavier_uniform init for the ntype-0 projection parameter [FEAT, EMB]
    limit = float(np.sqrt(6.0 / (FEAT + EMB)))
    proj0 = jax.random.uniform(k5, (FEAT, EMB), minval=-limit, maxval=limit, dtype=jnp.float32)
    # nn.Embedding(num_nodes, EMB) with uniform(-1, 1) init
    node_emb_table = jax.random.uniform(k6, (NUM_NODES, EMB), minval=-1.0, maxval=1.0, dtype=jnp.float32)
    return {
        "node_ids": node_ids,
        "node_tids": node_tids,
        "type_ids": type_ids,
        "feat0": feat0,
        "proj0": proj0,
        "node_emb_table": node_emb_table,
    }


def reference(node_ids, node_tids, type_ids, feat0, proj0, node_emb_table):
    # Faithful translation: loop over ntypes, masked write into output.
    # ntype 0 has raw input features -> gather + projection matmul.
    # ntypes 1,2 have inputs=None -> sparse learned node embedding lookup.
    x = jnp.zeros((node_ids.shape[0], node_emb_table.shape[1]), dtype=jnp.float32)
    for ntype in range(NUM_NTYPES):
        mask = (node_tids == ntype)[:, None]
        if ntype == 0:
            val = jnp.take(feat0, type_ids, axis=0) @ proj0
        else:
            val = jnp.take(node_emb_table, node_ids, axis=0)
        x = jnp.where(mask, val, x)
    return x

if __name__ == "__main__":
    import jax
    _d = setup_inputs()
    print(jax.jit(kernel)(*tuple(_d.values())))

</pallas_src>

<mosaic_0001>
#map = affine_map<(d0, d1) -> (0)>
#map1 = affine_map<(d0, d1) -> (0, 0)>
module attributes {stable_mosaic.version = 14 : i64} {
  func.func @_gather_fn(%arg0: i32, %arg1: i32, %arg2: memref<16384xi32, #tpu.memory_space<hbm>>, %arg3: memref<16384xi32, #tpu.memory_space<hbm>>, %arg4: memref<100000x128xf32, #tpu.memory_space<hbm>>, %arg5: memref<1000000x64xf32, #tpu.memory_space<hbm>>, %arg6: memref<16384x128xf32, #tpu.memory_space<hbm>>, %arg7: memref<16384x64xf32, #tpu.memory_space<hbm>>, %arg8: memref<512xi32, #tpu.memory_space<vmem>>, %arg9: memref<512xi32, #tpu.memory_space<vmem>>, %arg10: memref<256x128xf32, #tpu.memory_space<vmem>>, %arg11: memref<512x64xf32, #tpu.memory_space<vmem>>, %arg12: memref<!tpu.dma_semaphore, #tpu.memory_space<semaphore_mem>>, %arg13: memref<!tpu.dma_semaphore, #tpu.memory_space<semaphore_mem>>) attributes {dimension_semantics = [#tpu.dimension_semantics<core_parallel>, #tpu.dimension_semantics<subcore_parallel>], iteration_bounds = array<i64: 2, 16>, scalar_prefetch = 0 : i64, scratch_operands = 6 : i64, tpu.core_type = #tpu.core_type<sc_vector_subcore>, window_params = [{transform_indices = #map}, {transform_indices = #map}, {transform_indices = #map1}, {transform_indices = #map1}, {transform_indices = #map1}, {transform_indices = #map1}]} {
    %mul3A = arith.constant 2 : i32
    %mul3A_0 = arith.muli %arg1, %mul3A : i32
    %add3A = arith.addi %mul3A_0, %arg0 : i32
    %mul3A_1 = arith.constant 512 : i32
    %mul3A_2 = arith.muli %add3A, %mul3A_1 : i32
    "tpu.region"() ({
      %run_scoped3A = tpu.sem_alloc : memref<!tpu.dma_semaphore, #tpu.memory_space<semaphore_mem>>
      %dma_start3A_81 = tpu.memref_slice %arg2[%mul3A_2] : memref<16384xi32, #tpu.memory_space<hbm>> -> memref<512xi32, #tpu.memory_space<hbm>>
      %dma_start3A_82 = tpu.memref_slice %arg2[%mul3A_2] : memref<16384xi32, #tpu.memory_space<hbm>> -> memref<512xi32, #tpu.memory_space<hbm>>
      tpu.enqueue_dma source(%dma_start3A_82 : memref<512xi32, #tpu.memory_space<hbm>>) target(%arg8 : memref<512xi32, #tpu.memory_space<vmem>>) target_semaphore(%run_scoped3A : memref<!tpu.dma_semaphore, #tpu.memory_space<semaphore_mem>>)
      %dma_wait3A_83 = tpu.memref_slice %arg2[%mul3A_2] : memref<16384xi32, #tpu.memory_space<hbm>> -> memref<512xi32, #tpu.memory_space<hbm>>
      %dma_wait3A_84 = tpu.memref_slice %arg2[%mul3A_2] : memref<16384xi32, #tpu.memory_space<hbm>> -> memref<512xi32, #tpu.memory_space<hbm>>
      tpu.wait_dma2 semaphore(%run_scoped3A : memref<!tpu.dma_semaphore, #tpu.memory_space<semaphore_mem>>) src(%dma_wait3A_84 : memref<512xi32, #tpu.memory_space<hbm>>) dst(%arg8 : memref<512xi32, #tpu.memory_space<vmem>>)
      tpu.yield
    }) : () -> ()
    "tpu.region"() ({
      %run_scoped3A = tpu.sem_alloc : memref<!tpu.dma_semaphore, #tpu.memory_space<semaphore_mem>>
      %dma_start3A_81 = tpu.memref_slice %arg3[%mul3A_2] : memref<16384xi32, #tpu.memory_space<hbm>> -> memref<512xi32, #tpu.memory_space<hbm>>
      %dma_start3A_82 = tpu.memref_slice %arg3[%mul3A_2] : memref<16384xi32, #tpu.memory_space<hbm>> -> memref<512xi32, #tpu.memory_space<hbm>>
      tpu.enqueue_dma source(%dma_start3A_82 : memref<512xi32, #tpu.memory_space<hbm>>) target(%arg9 : memref<512xi32, #tpu.memory_space<vmem>>) target_semaphore(%run_scoped3A : memref<!tpu.dma_semaphore, #tpu.memory_space<semaphore_mem>>)
      %dma_wait3A_83 = tpu.memref_slice %arg3[%mul3A_2] : memref<16384xi32, #tpu.memory_space<hbm>> -> memref<512xi32, #tpu.memory_space<hbm>>
      %dma_wait3A_84 = tpu.memref_slice %arg3[%mul3A_2] : memref<16384xi32, #tpu.memory_space<hbm>> -> memref<512xi32, #tpu.memory_space<hbm>>
      tpu.wait_dma2 semaphore(%run_scoped3A : memref<!tpu.dma_semaphore, #tpu.memory_space<semaphore_mem>>) src(%dma_wait3A_84 : memref<512xi32, #tpu.memory_space<hbm>>) dst(%arg9 : memref<512xi32, #tpu.memory_space<vmem>>)
      tpu.yield
    }) : () -> ()
    %scan3A = arith.constant 0 : i32
    %scan3A_3 = arith.constant 0 : i32
    %scan3A_4 = arith.constant 32 : i32
    %scan3A_5 = arith.addi %scan3A_3, %scan3A_4 : i32
    %scan3A_6 = arith.constant 1 : i32
    %scan3A_7 = scf.for %scan3A_81 = %scan3A_3 to %scan3A_5 step %scan3A_6 iter_args(%scan3A_82 = %scan3A) -> (i32)  : i32 {
      %mul3A_83 = arith.constant 16 : i32
      %mul3A_84 = arith.muli %scan3A_81, %mul3A_83 : i32
      %get3A = arith.index_cast %mul3A_84 : i32 to index
      %get3A_85 = tpu.vector_load %arg9[%get3A] {strides = array<i32>} : memref<512xi32, #tpu.memory_space<vmem>>, vector<16xi32>,
      %get3A_86 = vector.shape_cast %get3A_85 : vector<16xi32> to vector<16xi32>
      %slice3A = vector.extract_strided_slice %get3A_86 {offsets = [0], sizes = [1], strides = [1]} : vector<16xi32> to vector<1xi32>
      %squeeze3A = vector.extract %slice3A[0] : i32 from vector<1xi32>
      %mul3A_87 = arith.constant 16 : i32
      %mul3A_88 = arith.muli %scan3A_81, %mul3A_87 : i32
      %add3A_89 = arith.constant 0 : i32
      %add3A_90 = arith.addi %mul3A_88, %add3A_89 : i32
      %dma_start3A_91 = arith.constant 0 : i32
      %dma_start3A_92 = tpu.memref_slice %arg11[%add3A_90, %dma_start3A_91] : memref<512x64xf32, #tpu.memory_space<vmem>> -> memref<1x64xf32, #tpu.memory_space<vmem>>
      %dma_start3A_93 = tpu.memref_squeeze %dma_start3A_92 : memref<1x64xf32, #tpu.memory_space<vmem>> -> memref<64xf32, #tpu.memory_space<vmem>>
      %dma_start3A_94 = arith.constant 0 : i32
      %dma_start3A_95 = tpu.memref_slice %arg5[%squeeze3A, %dma_start3A_94] : memref<1000000x64xf32, #tpu.memory_space<hbm>> -> memref<1x64xf32, #tpu.memory_space<hbm>>
      %dma_start3A_96 = tpu.memref_squeeze %dma_start3A_95 : memref<1x64xf32, #tpu.memory_space<hbm>> -> memref<64xf32, #tpu.memory_space<hbm>>
      %dma_start3A_97 = arith.constant 0 : i32
      %dma_start3A_98 = tpu.memref_slice %arg11[%add3A_90, %dma_start3A_97] : memref<512x64xf32, #tpu.memory_space<vmem>> -> memref<1x64xf32, #tpu.memory_space<vmem>>
      %dma_start3A_99 = tpu.memref_squeeze %dma_start3A_98 : memref<1x64xf32, #tpu.memory_space<vmem>> -> memref<64xf32, #tpu.memory_space<vmem>>
      %dma_start3A_100 = arith.constant 0 : i32
      %dma_start3A_101 = tpu.memref_slice %arg5[%squeeze3A, %dma_start3A_100] : memref<1000000x64xf32, #tpu.memory_space<hbm>> -> memref<1x64xf32, #tpu.memory_space<hbm>>
      %dma_start3A_102 = tpu.memref_squeeze %dma_start3A_101 : memref<1x64xf32, #tpu.memory_space<hbm>> -> memref<64xf32, #tpu.memory_space<hbm>>
      tpu.enqueue_dma source(%dma_start3A_102 : memref<64xf32, #tpu.memory_space<hbm>>) target(%dma_start3A_99 : memref<64xf32, #tpu.memory_space<vmem>>) target_semaphore(%arg13 : memref<!tpu.dma_semaphore, #tpu.memory_space<semaphore_mem>>)
      %slice3A_103 = vector.extract_strided_slice %get3A_86 {offsets = [1], sizes = [1], strides = [1]} : vector<16xi32> to vector<1xi32>
      %squeeze3A_104 = vector.extract %slice3A_103[0] : i32 from vector<1xi32>
      %mul3A_105 = arith.constant 16 : i32
      %mul3A_106 = arith.muli %scan3A_81, %mul3A_105 : i32
      %add3A_107 = arith.constant 1 : i32
      %add3A_108 = arith.addi %mul3A_106, %add3A_107 : i32
      %dma_start3A_109 = arith.constant 0 : i32
      %dma_start3A_110 = tpu.memref_slice %arg11[%add3A_108, %dma_start3A_109] : memref<512x64xf32, #tpu.memory_space<vmem>> -> memref<1x64xf32, #tpu.memory_space<vmem>>
      %dma_start3A_111 = tpu.memref_squeeze %dma_start3A_110 : memref<1x64xf32, #tpu.memory_space<vmem>> -> memref<64xf32, #tpu.memory_space<vmem>>
      %dma_start3A_112 = arith.constant 0 : i32
      %dma_start3A_113 = tpu.memref_slice %arg5[%squeeze3A_104, %dma_start3A_112] : memref<1000000x64xf32, #tpu.memory_space<hbm>> -> memref<1x64xf32, #tpu.memory_space<hbm>>
      %dma_start3A_114 = tpu.memref_squeeze %dma_start3A_113 : memref<1x64xf32, #tpu.memory_space<hbm>> -> memref<64xf32, #tpu.memory_space<hbm>>
      %dma_start3A_115 = arith.constant 0 : i32
      %dma_start3A_116 = tpu.memref_slice %arg11[%add3A_108, %dma_start3A_115] : memref<512x64xf32, #tpu.memory_space<vmem>> -> memref<1x64xf32, #tpu.memory_space<vmem>>
      %dma_start3A_117 = tpu.memref_squeeze %dma_start3A_116 : memref<1x64xf32, #tpu.memory_space<vmem>> -> memref<64xf32, #tpu.memory_space<vmem>>
      %dma_start3A_118 = arith.constant 0 : i32
      %dma_start3A_119 = tpu.memref_slice %arg5[%squeeze3A_104, %dma_start3A_118] : memref<1000000x64xf32, #tpu.memory_space<hbm>> -> memref<1x64xf32, #tpu.memory_space<hbm>>
      %dma_start3A_120 = tpu.memref_squeeze %dma_start3A_119 : memref<1x64xf32, #tpu.memory_space<hbm>> -> memref<64xf32, #tpu.memory_space<hbm>>
      tpu.enqueue_dma source(%dma_start3A_120 : memref<64xf32, #tpu.memory_space<hbm>>) target(%dma_start3A_117 : memref<64xf32, #tpu.memory_space<vmem>>) target_semaphore(%arg13 : memref<!tpu.dma_semaphore, #tpu.memory_space<semaphore_mem>>)
      %slice3A_121 = vector.extract_strided_slice %get3A_86 {offsets = [2], sizes = [1], strides = [1]} : vector<16xi32> to vector<1xi32>
      %squeeze3A_122 = vector.extract %slice3A_121[0] : i32 from vector<1xi32>
      %mul3A_123 = arith.constant 16 : i32
      %mul3A_124 = arith.muli %scan3A_81, %mul3A_123 : i32
      %add3A_125 = arith.constant 2 : i32
      %add3A_126 = arith.addi %mul3A_124, %add3A_125 : i32
      %dma_start3A_127 = arith.constant 0 : i32
      %dma_start3A_128 = tpu.memref_slice %arg11[%add3A_126, %dma_start3A_127] : memref<512x64xf32, #tpu.memory_space<vmem>> -> memref<1x64xf32, #tpu.memory_space<vmem>>
      %dma_start3A_129 = tpu.memref_squeeze %dma_start3A_128 : memref<1x64xf32, #tpu.memory_space<vmem>> -> memref<64xf32, #tpu.memory_space<vmem>>
      %dma_start3A_130 = arith.constant 0 : i32
      %dma_start3A_131 = tpu.memref_slice %arg5[%squeeze3A_122, %dma_start3A_130] : memref<1000000x64xf32, #tpu.memory_space<hbm>> -> memref<1x64xf32, #tpu.memory_space<hbm>>
      %dma_start3A_132 = tpu.memref_squeeze %dma_start3A_131 : memref<1x64xf32, #tpu.memory_space<hbm>> -> memref<64xf32, #tpu.memory_space<hbm>>
      %dma_start3A_133 = arith.constant 0 : i32
      %dma_start3A_134 = tpu.memref_slice %arg11[%add3A_126, %dma_start3A_133] : memref<512x64xf32, #tpu.memory_space<vmem>> -> memref<1x64xf32, #tpu.memory_space<vmem>>
      %dma_start3A_135 = tpu.memref_squeeze %dma_start3A_134 : memref<1x64xf32, #tpu.memory_space<vmem>> -> memref<64xf32, #tpu.memory_space<vmem>>
      %dma_start3A_136 = arith.constant 0 : i32
      %dma_start3A_137 = tpu.memref_slice %arg5[%squeeze3A_122, %dma_start3A_136] : memref<1000000x64xf32, #tpu.memory_space<hbm>> -> memref<1x64xf32, #tpu.memory_space<hbm>>
      %dma_start3A_138 = tpu.memref_squeeze %dma_start3A_137 : memref<1x64xf32, #tpu.memory_space<hbm>> -> memref<64xf32, #tpu.memory_space<hbm>>
      tpu.enqueue_dma source(%dma_start3A_138 : memref<64xf32, #tpu.memory_space<hbm>>) target(%dma_start3A_135 : memref<64xf32, #tpu.memory_space<vmem>>) target_semaphore(%arg13 : memref<!tpu.dma_semaphore, #tpu.memory_space<semaphore_mem>>)
      %slice3A_139 = vector.extract_strided_slice %get3A_86 {offsets = [3], sizes = [1], strides = [1]} : vector<16xi32> to vector<1xi32>
      %squeeze3A_140 = vector.extract %slice3A_139[0] : i32 from vector<1xi32>
      %mul3A_141 = arith.constant 16 : i32
      %mul3A_142 = arith.muli %scan3A_81, %mul3A_141 : i32
      %add3A_143 = arith.constant 3 : i32
      %add3A_144 = arith.addi %mul3A_142, %add3A_143 : i32
      %dma_start3A_145 = arith.constant 0 : i32
      %dma_start3A_146 = tpu.memref_slice %arg11[%add3A_144, %dma_start3A_145] : memref<512x64xf32, #tpu.memory_space<vmem>> -> memref<1x64xf32, #tpu.memory_space<vmem>>
      %dma_start3A_147 = tpu.memref_squeeze %dma_start3A_146 : memref<1x64xf32, #tpu.memory_space<vmem>> -> memref<64xf32, #tpu.memory_space<vmem>>
      %dma_start3A_148 = arith.constant 0 : i32
      %dma_start3A_149 = tpu.memref_slice %arg5[%squeeze3A_140, %dma_start3A_148] : memref<1000000x64xf32, #tpu.memory_space<hbm>> -> memref<1x64xf32, #tpu.memory_space<hbm>>
      %dma_start3A_150 = tpu.memref_squeeze %dma_start3A_149 : memref<1x64xf32, #tpu.memory_space<hbm>> -> memref<64xf32, #tpu.memory_space<hbm>>
      %dma_start3A_151 = arith.constant 0 : i32
      %dma_start3A_152 = tpu.memref_slice %arg11[%add3A_144, %dma_start3A_151] : memref<512x64xf32, #tpu.memory_space<vmem>> -> memref<1x64xf32, #tpu.memory_space<vmem>>
      %dma_start3A_153 = tpu.memref_squeeze %dma_start3A_152 : memref<1x64xf32, #tpu.memory_space<vmem>> -> memref<64xf32, #tpu.memory_space<vmem>>
      %dma_start3A_154 = arith.constant 0 : i32
      %dma_start3A_155 = tpu.memref_slice %arg5[%squeeze3A_140, %dma_start3A_154] : memref<1000000x64xf32, #tpu.memory_space<hbm>> -> memref<1x64xf32, #tpu.memory_space<hbm>>
      %dma_start3A_156 = tpu.memref_squeeze %dma_start3A_155 : memref<1x64xf32, #tpu.memory_space<hbm>> -> memref<64xf32, #tpu.memory_space<hbm>>
      tpu.enqueue_dma source(%dma_start3A_156 : memref<64xf32, #tpu.memory_space<hbm>>) target(%dma_start3A_153 : memref<64xf32, #tpu.memory_space<vmem>>) target_semaphore(%arg13 : memref<!tpu.dma_semaphore, #tpu.memory_space<semaphore_mem>>)
      %slice3A_157 = vector.extract_strided_slice %get3A_86 {offsets = [4], sizes = [1], strides = [1]} : vector<16xi32> to vector<1xi32>
      %squeeze3A_158 = vector.extract %slice3A_157[0] : i32 from vector<1xi32>
      %mul3A_159 = arith.constant 16 : i32
      %mul3A_160 = arith.muli %scan3A_81, %mul3A_159 : i32
      %add3A_161 = arith.constant 4 : i32
      %add3A_162 = arith.addi %mul3A_160, %add3A_161 : i32
      %dma_start3A_163 = arith.constant 0 : i32
      %dma_start3A_164 = tpu.memref_slice %arg11[%add3A_162, %dma_start3A_163] : memref<512x64xf32, #tpu.memory_space<vmem>> -> memref<1x64xf32, #tpu.memory_space<vmem>>
      %dma_start3A_165 = tpu.memref_squeeze %dma_start3A_164 : memref<1x64xf32, #tpu.memory_space<vmem>> -> memref<64xf32, #tpu.memory_space<vmem>>
      %dma_start3A_166 = arith.constant 0 : i32
      %dma_start3A_167 = tpu.memref_slice %arg5[%squeeze3A_158, %dma_start3A_166] : memref<1000000x64xf32, #tpu.memory_space<hbm>> -> memref<1x64xf32, #tpu.memory_space<hbm>>
      %dma_start3A_168 = tpu.memref_squeeze %dma_start3A_167 : memref<1x64xf32, #tpu.memory_space<hbm>> -> memref<64xf32, #tpu.memory_space<hbm>>
      %dma_start3A_169 = arith.constant 0 : i32
      %dma_start3A_170 = tpu.memref_slice %arg11[%add3A_162, %dma_start3A_169] : memref<512x64xf32, #tpu.memory_space<vmem>> -> memref<1x64xf32, #tpu.memory_space<vmem>>
      %dma_start3A_171 = tpu.memref_squeeze %dma_start3A_170 : memref<1x64xf32, #tpu.memory_space<vmem>> -> memref<64xf32, #tpu.memory_space<vmem>>
      %dma_start3A_172 = arith.constant 0 : i32
      %dma_start3A_173 = tpu.memref_slice %arg5[%squeeze3A_158, %dma_start3A_172] : memref<1000000x64xf32, #tpu.memory_space<hbm>> -> memref<1x64xf32, #tpu.memory_space<hbm>>
      %dma_start3A_174 = tpu.memref_squeeze %dma_start3A_173 : memref<1x64xf32, #tpu.memory_space<hbm>> -> memref<64xf32, #tpu.memory_space<hbm>>
      tpu.enqueue_dma source(%dma_start3A_174 : memref<64xf32, #tpu.memory_space<hbm>>) target(%dma_start3A_171 : memref<64xf32, #tpu.memory_space<vmem>>) target_semaphore(%arg13 : memref<!tpu.dma_semaphore, #tpu.memory_space<semaphore_mem>>)
      %slice3A_175 = vector.extract_strided_slice %get3A_86 {offsets = [5], sizes = [1], strides = [1]} : vector<16xi32> to vector<1xi32>
      %squeeze3A_176 = vector.extract %slice3A_175[0] : i32 from vector<1xi32>
      %mul3A_177 = arith.constant 16 : i32
      %mul3A_178 = arith.muli %scan3A_81, %mul3A_177 : i32
      %add3A_179 = arith.constant 5 : i32
      %add3A_180 = arith.addi %mul3A_178, %add3A_179 : i32
      %dma_start3A_181 = arith.constant 0 : i32
      %dma_start3A_182 = tpu.memref_slice %arg11[%add3A_180, %dma_start3A_181] : memref<512x64xf32, #tpu.memory_space<vmem>> -> memref<1x64xf32, #tpu.memory_space<vmem>>
      %dma_start3A_183 = tpu.memref_squeeze %dma_start3A_182 : memref<1x64xf32, #tpu.memory_space<vmem>> -> memref<64xf32, #tpu.memory_space<vmem>>
      %dma_start3A_184 = arith.constant 0 : i32
      %dma_start3A_185 = tpu.memref_slice %arg5[%squeeze3A_176, %dma_start3A_184] : memref<1000000x64xf32, #tpu.memory_space<hbm>> -> memref<1x64xf32, #tpu.memory_space<hbm>>
      %dma_start3A_186 = tpu.memref_squeeze %dma_start3A_185 : memref<1x64xf32, #tpu.memory_space<hbm>> -> memref<64xf32, #tpu.memory_space<hbm>>
      %dma_start3A_187 = arith.constant 0 : i32
      %dma_start3A_188 = tpu.memref_slice %arg11[%add3A_180, %dma_start3A_187] : memref<512x64xf32, #tpu.memory_space<vmem>> -> memref<1x64xf32, #tpu.memory_space<vmem>>
      %dma_start3A_189 = tpu.memref_squeeze %dma_start3A_188 : memref<1x64xf32, #tpu.memory_space<vmem>> -> memref<64xf32, #tpu.memory_space<vmem>>
      %dma_start3A_190 = arith.constant 0 : i32
      %dma_start3A_191 = tpu.memref_slice %arg5[%squeeze3A_176, %dma_start3A_190] : memref<1000000x64xf32, #tpu.memory_space<hbm>> -> memref<1x64xf32, #tpu.memory_space<hbm>>
      %dma_start3A_192 = tpu.memref_squeeze %dma_start3A_191 : memref<1x64xf32, #tpu.memory_space<hbm>> -> memref<64xf32, #tpu.memory_space<hbm>>
      tpu.enqueue_dma source(%dma_start3A_192 : memref<64xf32, #tpu.memory_space<hbm>>) target(%dma_start3A_189 : memref<64xf32, #tpu.memory_space<vmem>>) target_semaphore(%arg13 : memref<!tpu.dma_semaphore, #tpu.memory_space<semaphore_mem>>)
      %slice3A_193 = vector.extract_strided_slice %get3A_86 {offsets = [6], sizes = [1], strides = [1]} : vector<16xi32> to vector<1xi32>
      %squeeze3A_194 = vector.extract %slice3A_193[0] : i32 from vector<1xi32>
      %mul3A_195 = arith.constant 16 : i32
      %mul3A_196 = arith.muli %scan3A_81, %mul3A_195 : i32
      %add3A_197 = arith.constant 6 : i32
      %add3A_198 = arith.addi %mul3A_196, %add3A_197 : i32
      %dma_start3A_199 = arith.constant 0 : i32
      %dma_start3A_200 = tpu.memref_slice %arg11[%add3A_198, %dma_start3A_199] : memref<512x64xf32, #tpu.memory_space<vmem>> -> memref<1x64xf32, #tpu.memory_space<vmem>>
      %dma_start3A_201 = tpu.memref_squeeze %dma_start3A_200 : memref<1x64xf32, #tpu.memory_space<vmem>> -> memref<64xf32, #tpu.memory_space<vmem>>
      %dma_start3A_202 = arith.constant 0 : i32
      %dma_start3A_203 = tpu.memref_slice %arg5[%squeeze3A_194, %dma_start3A_202] : memref<1000000x64xf32, #tpu.memory_space<hbm>> -> memref<1x64xf32, #tpu.memory_space<hbm>>
      %dma_start3A_204 = tpu.memref_squeeze %dma_start3A_203 : memref<1x64xf32, #tpu.memory_space<hbm>> -> memref<64xf32, #tpu.memory_space<hbm>>
      %dma_start3A_205 = arith.constant 0 : i32
      %dma_start3A_206 = tpu.memref_slice %arg11[%add3A_198, %dma_start3A_205] : memref<512x64xf32, #tpu.memory_space<vmem>> -> memref<1x64xf32, #tpu.memory_space<vmem>>
      %dma_start3A_207 = tpu.memref_squeeze %dma_start3A_206 : memref<1x64xf32, #tpu.memory_space<vmem>> -> memref<64xf32, #tpu.memory_space<vmem>>
      %dma_start3A_208 = arith.constant 0 : i32
      %dma_start3A_209 = tpu.memref_slice %arg5[%squeeze3A_194, %dma_start3A_208] : memref<1000000x64xf32, #tpu.memory_space<hbm>> -> memref<1x64xf32, #tpu.memory_space<hbm>>
      %dma_start3A_210 = tpu.memref_squeeze %dma_start3A_209 : memref<1x64xf32, #tpu.memory_space<hbm>> -> memref<64xf32, #tpu.memory_space<hbm>>
      tpu.enqueue_dma source(%dma_start3A_210 : memref<64xf32, #tpu.memory_space<hbm>>) target(%dma_start3A_207 : memref<64xf32, #tpu.memory_space<vmem>>) target_semaphore(%arg13 : memref<!tpu.dma_semaphore, #tpu.memory_space<semaphore_mem>>)
      %slice3A_211 = vector.extract_strided_slice %get3A_86 {offsets = [7], sizes = [1], strides = [1]} : vector<16xi32> to vector<1xi32>
      %squeeze3A_212 = vector.extract %slice3A_211[0] : i32 from vector<1xi32>
      %mul3A_213 = arith.constant 16 : i32
      %mul3A_214 = arith.muli %scan3A_81, %mul3A_213 : i32
      %add3A_215 = arith.constant 7 : i32
      %add3A_216 = arith.addi %mul3A_214, %add3A_215 : i32
      %dma_start3A_217 = arith.constant 0 : i32
      %dma_start3A_218 = tpu.memref_slice %arg11[%add3A_216, %dma_start3A_217] : memref<512x64xf32, #tpu.memory_space<vmem>> -> memref<1x64xf32, #tpu.memory_space<vmem>>
      %dma_start3A_219 = tpu.memref_squeeze %dma_start3A_218 : memref<1x64xf32, #tpu.memory_space<vmem>> -> memref<64xf32, #tpu.memory_space<vmem>>
      %dma_start3A_220 = arith.constant 0 : i32
      %dma_start3A_221 = tpu.memref_slice %arg5[%squeeze3A_212, %dma_start3A_220] : memref<1000000x64xf32, #tpu.memory_space<hbm>> -> memref<1x64xf32, #tpu.memory_space<hbm>>
      %dma_start3A_222 = tpu.memref_squeeze %dma_start3A_221 : memref<1x64xf32, #tpu.memory_space<hbm>> -> memref<64xf32, #tpu.memory_space<hbm>>
      %dma_start3A_223 = arith.constant 0 : i32
      %dma_start3A_224 = tpu.memref_slice %arg11[%add3A_216, %dma_start3A_223] : memref<512x64xf32, #tpu.memory_space<vmem>> -> memref<1x64xf32, #tpu.memory_space<vmem>>
      %dma_start3A_225 = tpu.memref_squeeze %dma_start3A_224 : memref<1x64xf32, #tpu.memory_space<vmem>> -> memref<64xf32, #tpu.memory_space<vmem>>
      %dma_start3A_226 = arith.constant 0 : i32
      %dma_start3A_227 = tpu.memref_slice %arg5[%squeeze3A_212, %dma_start3A_226] : memref<1000000x64xf32, #tpu.memory_space<hbm>> -> memref<1x64xf32, #tpu.memory_space<hbm>>
      %dma_start3A_228 = tpu.memref_squeeze %dma_start3A_227 : memref<1x64xf32, #tpu.memory_space<hbm>> -> memref<64xf32, #tpu.memory_space<hbm>>
      tpu.enqueue_dma source(%dma_start3A_228 : memref<64xf32, #tpu.memory_space<hbm>>) target(%dma_start3A_225 : memref<64xf32, #tpu.memory_space<vmem>>) target_semaphore(%arg13 : memref<!tpu.dma_semaphore, #tpu.memory_space<semaphore_mem>>)
      %slice3A_229 = vector.extract_strided_slice %get3A_86 {offsets = [8], sizes = [1], strides = [1]} : vector<16xi32> to vector<1xi32>
      %squeeze3A_230 = vector.extract %slice3A_229[0] : i32 from vector<1xi32>
      %mul3A_231 = arith.constant 16 : i32
      %mul3A_232 = arith.muli %scan3A_81, %mul3A_231 : i32
      %add3A_233 = arith.constant 8 : i32
      %add3A_234 = arith.addi %mul3A_232, %add3A_233 : i32
      %dma_start3A_235 = arith.constant 0 : i32
      %dma_start3A_236 = tpu.memref_slice %arg11[%add3A_234, %dma_start3A_235] : memref<512x64xf32, #tpu.memory_space<vmem>> -> memref<1x64xf32, #tpu.memory_space<vmem>>
      %dma_start3A_237 = tpu.memref_squeeze %dma_start3A_236 : memref<1x64xf32, #tpu.memory_space<vmem>> -> memref<64xf32, #tpu.memory_space<vmem>>
      %dma_start3A_238 = arith.constant 0 : i32
      %dma_start3A_239 = tpu.memref_slice %arg5[%squeeze3A_230, %dma_start3A_238] : memref<1000000x64xf32, #tpu.memory_space<hbm>> -> memref<1x64xf32, #tpu.memory_space<hbm>>
      %dma_start3A_240 = tpu.memref_squeeze %dma_start3A_239 : memref<1x64xf32, #tpu.memory_space<hbm>> -> memref<64xf32, #tpu.memory_space<hbm>>
      %dma_start3A_241 = arith.constant 0 : i32
      %dma_start3A_242 = tpu.memref_slice %arg11[%add3A_234, %dma_start3A_241] : memref<512x64xf32, #tpu.memory_space<vmem>> -> memref<1x64xf32, #tpu.memory_space<vmem>>
      %dma_start3A_243 = tpu.memref_squeeze %dma_start3A_242 : memref<1x64xf32, #tpu.memory_space<vmem>> -> memref<64xf32, #tpu.memory_space<vmem>>
      %dma_start3A_244 = arith.constant 0 : i32
      %dma_start3A_245 = tpu.memref_slice %arg5[%squeeze3A_230, %dma_start3A_244] : memref<1000000x64xf32, #tpu.memory_space<hbm>> -> memref<1x64xf32, #tpu.memory_space<hbm>>
      %dma_start3A_246 = tpu.memref_squeeze %dma_start3A_245 : memref<1x64xf32, #tpu.memory_space<hbm>> -> memref<64xf32, #tpu.memory_space<hbm>>
      tpu.enqueue_dma source(%dma_start3A_246 : memref<64xf32, #tpu.memory_space<hbm>>) target(%dma_start3A_243 : memref<64xf32, #tpu.memory_space<vmem>>) target_semaphore(%arg13 : memref<!tpu.dma_semaphore, #tpu.memory_space<semaphore_mem>>)
      %slice3A_247 = vector.extract_strided_slice %get3A_86 {offsets = [9], sizes = [1], strides = [1]} : vector<16xi32> to vector<1xi32>
      %squeeze3A_248 = vector.extract %slice3A_247[0] : i32 from vector<1xi32>
      %mul3A_249 = arith.constant 16 : i32
      %mul3A_250 = arith.muli %scan3A_81, %mul3A_249 : i32
      %add3A_251 = arith.constant 9 : i32
      %add3A_252 = arith.addi %mul3A_250, %add3A_251 : i32
      %dma_start3A_253 = arith.constant 0 : i32
      %dma_start3A_254 = tpu.memref_slice %arg11[%add3A_252, %dma_start3A_253] : memref<512x64xf32, #tpu.memory_space<vmem>> -> memref<1x64xf32, #tpu.memory_space<vmem>>
      %dma_start3A_255 = tpu.memref_squeeze %dma_start3A_254 : memref<1x64xf32, #tpu.memory_space<vmem>> -> memref<64xf32, #tpu.memory_space<vmem>>
      %dma_start3A_256 = arith.constant 0 : i32
      %dma_start3A_257 = tpu.memref_slice %arg5[%squeeze3A_248, %dma_start3A_256] : memref<1000000x64xf32, #tpu.memory_space<hbm>> -> memref<1x64xf32, #tpu.memory_space<hbm>>
      %dma_start3A_258 = tpu.memref_squeeze %dma_start3A_257 : memref<1x64xf32, #tpu.memory_space<hbm>> -> memref<64xf32, #tpu.memory_space<hbm>>
      %dma_start3A_259 = arith.constant 0 : i32
      %dma_start3A_260 = tpu.memref_slice %arg11[%add3A_252, %dma_start3A_259] : memref<512x64xf32, #tpu.memory_space<vmem>> -> memref<1x64xf32, #tpu.memory_space<vmem>>
      %dma_start3A_261 = tpu.memref_squeeze %dma_start3A_260 : memref<1x64xf32, #tpu.memory_space<vmem>> -> memref<64xf32, #tpu.memory_space<vmem>>
      %dma_start3A_262 = arith.constant 0 : i32
      %dma_start3A_263 = tpu.memref_slice %arg5[%squeeze3A_248, %dma_start3A_262] : memref<1000000x64xf32, #tpu.memory_space<hbm>> -> memref<1x64xf32, #tpu.memory_space<hbm>>
      %dma_start3A_264 = tpu.memref_squeeze %dma_start3A_263 : memref<1x64xf32, #tpu.memory_space<hbm>> -> memref<64xf32, #tpu.memory_space<hbm>>
      tpu.enqueue_dma source(%dma_start3A_264 : memref<64xf32, #tpu.memory_space<hbm>>) target(%dma_start3A_261 : memref<64xf32, #tpu.memory_space<vmem>>) target_semaphore(%arg13 : memref<!tpu.dma_semaphore, #tpu.memory_space<semaphore_mem>>)
      %slice3A_265 = vector.extract_strided_slice %get3A_86 {offsets = [10], sizes = [1], strides = [1]} : vector<16xi32> to vector<1xi32>
      %squeeze3A_266 = vector.extract %slice3A_265[0] : i32 from vector<1xi32>
      %mul3A_267 = arith.constant 16 : i32
      %mul3A_268 = arith.muli %scan3A_81, %mul3A_267 : i32
      %add3A_269 = arith.constant 10 : i32
      %add3A_270 = arith.addi %mul3A_268, %add3A_269 : i32
      %dma_start3A_271 = arith.constant 0 : i32
      %dma_start3A_272 = tpu.memref_slice %arg11[%add3A_270, %dma_start3A_271] : memref<512x64xf32, #tpu.memory_space<vmem>> -> memref<1x64xf32, #tpu.memory_space<vmem>>
      %dma_start3A_273 = tpu.memref_squeeze %dma_start3A_272 : memref<1x64xf32, #tpu.memory_space<vmem>> -> memref<64xf32, #tpu.memory_space<vmem>>
      %dma_start3A_274 = arith.constant 0 : i32
      %dma_start3A_275 = tpu.memref_slice %arg5[%squeeze3A_266, %dma_start3A_274] : memref<1000000x64xf32, #tpu.memory_space<hbm>> -> memref<1x64xf32, #tpu.memory_space<hbm>>
      %dma_start3A_276 = tpu.memref_squeeze %dma_start3A_275 : memref<1x64xf32, #tpu.memory_space<hbm>> -> memref<64xf32, #tpu.memory_space<hbm>>
      %dma_start3A_277 = arith.constant 0 : i32
      %dma_start3A_278 = tpu.memref_slice %arg11[%add3A_270, %dma_start3A_277] : memref<512x64xf32, #tpu.memory_space<vmem>> -> memref<1x64xf32, #tpu.memory_space<vmem>>
      %dma_start3A_279 = tpu.memref_squeeze %dma_start3A_278 : memref<1x64xf32, #tpu.memory_space<vmem>> -> memref<64xf32, #tpu.memory_space<vmem>>
      %dma_start3A_280 = arith.constant 0 : i32
      %dma_start3A_281 = tpu.memref_slice %arg5[%squeeze3A_266, %dma_start3A_280] : memref<1000000x64xf32, #tpu.memory_space<hbm>> -> memref<1x64xf32, #tpu.memory_space<hbm>>
      %dma_start3A_282 = tpu.memref_squeeze %dma_start3A_281 : memref<1x64xf32, #tpu.memory_space<hbm>> -> memref<64xf32, #tpu.memory_space<hbm>>
      tpu.enqueue_dma source(%dma_start3A_282 : memref<64xf32, #tpu.memory_space<hbm>>) target(%dma_start3A_279 : memref<64xf32, #tpu.memory_space<vmem>>) target_semaphore(%arg13 : memref<!tpu.dma_semaphore, #tpu.memory_space<semaphore_mem>>)
      %slice3A_283 = vector.extract_strided_slice %get3A_86 {offsets = [11], sizes = [1], strides = [1]} : vector<16xi32> to vector<1xi32>
      %squeeze3A_284 = vector.extract %slice3A_283[0] : i32 from vector<1xi32>
      %mul3A_285 = arith.constant 16 : i32
      %mul3A_286 = arith.muli %scan3A_81, %mul3A_285 : i32
      %add3A_287 = arith.constant 11 : i32
      %add3A_288 = arith.addi %mul3A_286, %add3A_287 : i32
      %dma_start3A_289 = arith.constant 0 : i32
      %dma_start3A_290 = tpu.memref_slice %arg11[%add3A_288, %dma_start3A_289] : memref<512x64xf32, #tpu.memory_space<vmem>> -> memref<1x64xf32, #tpu.memory_space<vmem>>
      %dma_start3A_291 = tpu.memref_squeeze %dma_start3A_290 : memref<1x64xf32, #tpu.memory_space<vmem>> -> memref<64xf32, #tpu.memory_space<vmem>>
      %dma_start3A_292 = arith.constant 0 : i32
      %dma_start3A_293 = tpu.memref_slice %arg5[%squeeze3A_284, %dma_start3A_292] : memref<1000000x64xf32, #tpu.memory_space<hbm>> -> memref<1x64xf32, #tpu.memory_space<hbm>>
      %dma_start3A_294 = tpu.memref_squeeze %dma_start3A_293 : memref<1x64xf32, #tpu.memory_space<hbm>> -> memref<64xf32, #tpu.memory_space<hbm>>
      %dma_start3A_295 = arith.constant 0 : i32
      %dma_start3A_296 = tpu.memref_slice %arg11[%add3A_288, %dma_start3A_295] : memref<512x64xf32, #tpu.memory_space<vmem>> -> memref<1x64xf32, #tpu.memory_space<vmem>>
      %dma_start3A_297 = tpu.memref_squeeze %dma_start3A_296 : memref<1x64xf32, #tpu.memory_space<vmem>> -> memref<64xf32, #tpu.memory_space<vmem>>
      %dma_start3A_298 = arith.constant 0 : i32
      %dma_start3A_299 = tpu.memref_slice %arg5[%squeeze3A_284, %dma_start3A_298] : memref<1000000x64xf32, #tpu.memory_space<hbm>> -> memref<1x64xf32, #tpu.memory_space<hbm>>
      %dma_start3A_300 = tpu.memref_squeeze %dma_start3A_299 : memref<1x64xf32, #tpu.memory_space<hbm>> -> memref<64xf32, #tpu.memory_space<hbm>>
      tpu.enqueue_dma source(%dma_start3A_300 : memref<64xf32, #tpu.memory_space<hbm>>) target(%dma_start3A_297 : memref<64xf32, #tpu.memory_space<vmem>>) target_semaphore(%arg13 : memref<!tpu.dma_semaphore, #tpu.memory_space<semaphore_mem>>)
      %slice3A_301 = vector.extract_strided_slice %get3A_86 {offsets = [12], sizes = [1], strides = [1]} : vector<16xi32> to vector<1xi32>
      %squeeze3A_302 = vector.extract %slice3A_301[0] : i32 from vector<1xi32>
      %mul3A_303 = arith.constant 16 : i32
      %mul3A_304 = arith.muli %scan3A_81, %mul3A_303 : i32
      %add3A_305 = arith.constant 12 : i32
      %add3A_306 = arith.addi %mul3A_304, %add3A_305 : i32
      %dma_start3A_307 = arith.constant 0 : i32
      %dma_start3A_308 = tpu.memref_slice %arg11[%add3A_306, %dma_start3A_307] : memref<512x64xf32, #tpu.memory_space<vmem>> -> memref<1x64xf32, #tpu.memory_space<vmem>>
      %dma_start3A_309 = tpu.memref_squeeze %dma_start3A_308 : memref<1x64xf32, #tpu.memory_space<vmem>> -> memref<64xf32, #tpu.memory_space<vmem>>
      %dma_start3A_310 = arith.constant 0 : i32
      %dma_start3A_311 = tpu.memref_slice %arg5[%squeeze3A_302, %dma_start3A_310] : memref<1000000x64xf32, #tpu.memory_space<hbm>> -> memref<1x64xf32, #tpu.memory_space<hbm>>
      %dma_start3A_312 = tpu.memref_squeeze %dma_start3A_311 : memref<1x64xf32, #tpu.memory_space<hbm>> -> memref<64xf32, #tpu.memory_space<hbm>>
      %dma_start3A_313 = arith.constant 0 : i32
      %dma_start3A_314 = tpu.memref_slice %arg11[%add3A_306, %dma_start3A_313] : memref<512x64xf32, #tpu.memory_space<vmem>> -> memref<1x64xf32, #tpu.memory_space<vmem>>
      %dma_start3A_315 = tpu.memref_squeeze %dma_start3A_314 : memref<1x64xf32, #tpu.memory_space<vmem>> -> memref<64xf32, #tpu.memory_space<vmem>>
      %dma_start3A_316 = arith.constant 0 : i32
      %dma_start3A_317 = tpu.memref_slice %arg5[%squeeze3A_302, %dma_start3A_316] : memref<1000000x64xf32, #tpu.memory_space<hbm>> -> memref<1x64xf32, #tpu.memory_space<hbm>>
      %dma_start3A_318 = tpu.memref_squeeze %dma_start3A_317 : memref<1x64xf32, #tpu.memory_space<hbm>> -> memref<64xf32, #tpu.memory_space<hbm>>
      tpu.enqueue_dma source(%dma_start3A_318 : memref<64xf32, #tpu.memory_space<hbm>>) target(%dma_start3A_315 : memref<64xf32, #tpu.memory_space<vmem>>) target_semaphore(%arg13 : memref<!tpu.dma_semaphore, #tpu.memory_space<semaphore_mem>>)
      %slice3A_319 = vector.extract_strided_slice %get3A_86 {offsets = [13], sizes = [1], strides = [1]} : vector<16xi32> to vector<1xi32>
      %squeeze3A_320 = vector.extract %slice3A_319[0] : i32 from vector<1xi32>
      %mul3A_321 = arith.constant 16 : i32
      %mul3A_322 = arith.muli %scan3A_81, %mul3A_321 : i32
      %add3A_323 = arith.constant 13 : i32
      %add3A_324 = arith.addi %mul3A_322, %add3A_323 : i32
      %dma_start3A_325 = arith.constant 0 : i32
      %dma_start3A_326 = tpu.memref_slice %arg11[%add3A_324, %dma_start3A_325] : memref<512x64xf32, #tpu.memory_space<vmem>> -> memref<1x64xf32, #tpu.memory_space<vmem>>
      %dma_start3A_327 = tpu.memref_squeeze %dma_start3A_326 : memref<1x64xf32, #tpu.memory_space<vmem>> -> memref<64xf32, #tpu.memory_space<vmem>>
      %dma_start3A_328 = arith.constant 0 : i32
      %dma_start3A_329 = tpu.memref_slice %arg5[%squeeze3A_320, %dma_start3A_328] : memref<1000000x64xf32, #tpu.memory_space<hbm>> -> memref<1x64xf32, #tpu.memory_space<hbm>>
      %dma_start3A_330 = tpu.memref_squeeze %dma_start3A_329 : memref<1x64xf32, #tpu.memory_space<hbm>> -> memref<64xf32, #tpu.memory_space<hbm>>
      %dma_start3A_331 = arith.constant 0 : i32
      %dma_start3A_332 = tpu.memref_slice %arg11[%add3A_324, %dma_start3A_331] : memref<512x64xf32, #tpu.memory_space<vmem>> -> memref<1x64xf32, #tpu.memory_space<vmem>>
      %dma_start3A_333 = tpu.memref_squeeze %dma_start3A_332 : memref<1x64xf32, #tpu.memory_space<vmem>> -> memref<64xf32, #tpu.memory_space<vmem>>
      %dma_start3A_334 = arith.constant 0 : i32
      %dma_start3A_335 = tpu.memref_slice %arg5[%squeeze3A_320, %dma_start3A_334] : memref<1000000x64xf32, #tpu.memory_space<hbm>> -> memref<1x64xf32, #tpu.memory_space<hbm>>
      %dma_start3A_336 = tpu.memref_squeeze %dma_start3A_335 : memref<1x64xf32, #tpu.memory_space<hbm>> -> memref<64xf32, #tpu.memory_space<hbm>>
      tpu.enqueue_dma source(%dma_start3A_336 : memref<64xf32, #tpu.memory_space<hbm>>) target(%dma_start3A_333 : memref<64xf32, #tpu.memory_space<vmem>>) target_semaphore(%arg13 : memref<!tpu.dma_semaphore, #tpu.memory_space<semaphore_mem>>)
      %slice3A_337 = vector.extract_strided_slice %get3A_86 {offsets = [14], sizes = [1], strides = [1]} : vector<16xi32> to vector<1xi32>
      %squeeze3A_338 = vector.extract %slice3A_337[0] : i32 from vector<1xi32>
      %mul3A_339 = arith.constant 16 : i32
      %mul3A_340 = arith.muli %scan3A_81, %mul3A_339 : i32
      %add3A_341 = arith.constant 14 : i32
      %add3A_342 = arith.addi %mul3A_340, %add3A_341 : i32
      %dma_start3A_343 = arith.constant 0 : i32
      %dma_start3A_344 = tpu.memref_slice %arg11[%add3A_342, %dma_start3A_343] : memref<512x64xf32, #tpu.memory_space<vmem>> -> memref<1x64xf32, #tpu.memory_space<vmem>>
      %dma_start3A_345 = tpu.memref_squeeze %dma_start3A_344 : memref<1x64xf32, #tpu.memory_space<vmem>> -> memref<64xf32, #tpu.memory_space<vmem>>
      %dma_start3A_346 = arith.constant 0 : i32
      %dma_start3A_347 = tpu.memref_slice %arg5[%squeeze3A_338, %dma_start3A_346] : memref<1000000x64xf32, #tpu.memory_space<hbm>> -> memref<1x64xf32, #tpu.memory_space<hbm>>
      %dma_start3A_348 = tpu.memref_squeeze %dma_start3A_347 : memref<1x64xf32, #tpu.memory_space<hbm>> -> memref<64xf32, #tpu.memory_space<hbm>>
      %dma_start3A_349 = arith.constant 0 : i32
      %dma_start3A_350 = tpu.memref_slice %arg11[%add3A_342, %dma_start3A_349] : memref<512x64xf32, #tpu.memory_space<vmem>> -> memref<1x64xf32, #tpu.memory_space<vmem>>
      %dma_start3A_351 = tpu.memref_squeeze %dma_start3A_350 : memref<1x64xf32, #tpu.memory_space<vmem>> -> memref<64xf32, #tpu.memory_space<vmem>>
      %dma_start3A_352 = arith.constant 0 : i32
      %dma_start3A_353 = tpu.memref_slice %arg5[%squeeze3A_338, %dma_start3A_352] : memref<1000000x64xf32, #tpu.memory_space<hbm>> -> memref<1x64xf32, #tpu.memory_space<hbm>>
      %dma_start3A_354 = tpu.memref_squeeze %dma_start3A_353 : memref<1x64xf32, #tpu.memory_space<hbm>> -> memref<64xf32, #tpu.memory_space<hbm>>
      tpu.enqueue_dma source(%dma_start3A_354 : memref<64xf32, #tpu.memory_space<hbm>>) target(%dma_start3A_351 : memref<64xf32, #tpu.memory_space<vmem>>) target_semaphore(%arg13 : memref<!tpu.dma_semaphore, #tpu.memory_space<semaphore_mem>>)
      %slice3A_355 = vector.extract_strided_slice %get3A_86 {offsets = [15], sizes = [1], strides = [1]} : vector<16xi32> to vector<1xi32>
      %squeeze3A_356 = vector.extract %slice3A_355[0] : i32 from vector<1xi32>
      %mul3A_357 = arith.constant 16 : i32
      %mul3A_358 = arith.muli %scan3A_81, %mul3A_357 : i32
      %add3A_359 = arith.constant 15 : i32
      %add3A_360 = arith.addi %mul3A_358, %add3A_359 : i32
      %dma_start3A_361 = arith.constant 0 : i32
      %dma_start3A_362 = tpu.memref_slice %arg11[%add3A_360, %dma_start3A_361] : memref<512x64xf32, #tpu.memory_space<vmem>> -> memref<1x64xf32, #tpu.memory_space<vmem>>
      %dma_start3A_363 = tpu.memref_squeeze %dma_start3A_362 : memref<1x64xf32, #tpu.memory_space<vmem>> -> memref<64xf32, #tpu.memory_space<vmem>>
      %dma_start3A_364 = arith.constant 0 : i32
      %dma_start3A_365 = tpu.memref_slice %arg5[%squeeze3A_356, %dma_start3A_364] : memref<1000000x64xf32, #tpu.memory_space<hbm>> -> memref<1x64xf32, #tpu.memory_space<hbm>>
      %dma_start3A_366 = tpu.memref_squeeze %dma_start3A_365 : memref<1x64xf32, #tpu.memory_space<hbm>> -> memref<64xf32, #tpu.memory_space<hbm>>
      %dma_start3A_367 = arith.constant 0 : i32
      %dma_start3A_368 = tpu.memref_slice %arg11[%add3A_360, %dma_start3A_367] : memref<512x64xf32, #tpu.memory_space<vmem>> -> memref<1x64xf32, #tpu.memory_space<vmem>>
      %dma_start3A_369 = tpu.memref_squeeze %dma_start3A_368 : memref<1x64xf32, #tpu.memory_space<vmem>> -> memref<64xf32, #tpu.memory_space<vmem>>
      %dma_start3A_370 = arith.constant 0 : i32
      %dma_start3A_371 = tpu.memref_slice %arg5[%squeeze3A_356, %dma_start3A_370] : memref<1000000x64xf32, #tpu.memory_space<hbm>> -> memref<1x64xf32, #tpu.memory_space<hbm>>
      %dma_start3A_372 = tpu.memref_squeeze %dma_start3A_371 : memref<1x64xf32, #tpu.memory_space<hbm>> -> memref<64xf32, #tpu.memory_space<hbm>>
      tpu.enqueue_dma source(%dma_start3A_372 : memref<64xf32, #tpu.memory_space<hbm>>) target(%dma_start3A_369 : memref<64xf32, #tpu.memory_space<vmem>>) target_semaphore(%arg13 : memref<!tpu.dma_semaphore, #tpu.memory_space<semaphore_mem>>)
      %scan3A_373 = arith.constant 0 : i32
      scf.yield %scan3A_373 : i32
    }
    %scan3A_8 = arith.constant 32 : i32
    %dma_start3A = arith.constant 0 : i32
    %dma_start3A_9 = arith.constant 0 : i32
    %dma_start3A_10 = tpu.memref_slice %arg10[%dma_start3A, %dma_start3A_9] : memref<256x128xf32, #tpu.memory_space<vmem>> -> memref<128x128xf32, #tpu.memory_space<vmem>>
    %dma_start3A_11 = arith.constant 0 : i32
    %dma_start3A_12 = tpu.memref_slice %arg8[%dma_start3A_11] : memref<512xi32, #tpu.memory_space<vmem>> -> memref<128xi32, #tpu.memory_space<vmem>>
    %dma_start3A_13 = arith.constant 0 : i32
    %dma_start3A_14 = arith.constant 0 : i32
    %dma_start3A_15 = tpu.memref_slice %arg4[%dma_start3A_13, %dma_start3A_14] : memref<100000x128xf32, #tpu.memory_space<hbm>> -> memref<100000x128xf32, #tpu.memory_space<hbm>>
    tpu.enqueue_indirect_dma source(%dma_start3A_15 : memref<100000x128xf32, #tpu.memory_space<hbm>>) target(%dma_start3A_10 : memref<128x128xf32, #tpu.memory_space<vmem>>) offsets(%dma_start3A_12 : memref<128xi32, #tpu.memory_space<vmem>>) semaphore(%arg12 : memref<!tpu.dma_semaphore, #tpu.memory_space<semaphore_mem>>)
    %dma_start3A_16 = arith.constant 128 : i32
    %dma_start3A_17 = arith.constant 0 : i32
    %dma_start3A_18 = tpu.memref_slice %arg10[%dma_start3A_16, %dma_start3A_17] : memref<256x128xf32, #tpu.memory_space<vmem>> -> memref<128x128xf32, #tpu.memory_space<vmem>>
    %dma_start3A_19 = arith.constant 128 : i32
    %dma_start3A_20 = tpu.memref_slice %arg8[%dma_start3A_19] : memref<512xi32, #tpu.memory_space<vmem>> -> memref<128xi32, #tpu.memory_space<vmem>>
    %dma_start3A_21 = arith.constant 0 : i32
    %dma_start3A_22 = arith.constant 0 : i32
    %dma_start3A_23 = tpu.memref_slice %arg4[%dma_start3A_21, %dma_start3A_22] : memref<100000x128xf32, #tpu.memory_space<hbm>> -> memref<100000x128xf32, #tpu.memory_space<hbm>>
    tpu.enqueue_indirect_dma source(%dma_start3A_23 : memref<100000x128xf32, #tpu.memory_space<hbm>>) target(%dma_start3A_18 : memref<128x128xf32, #tpu.memory_space<vmem>>) offsets(%dma_start3A_20 : memref<128xi32, #tpu.memory_space<vmem>>) semaphore(%arg12 : memref<!tpu.dma_semaphore, #tpu.memory_space<semaphore_mem>>)
    %dma_wait3A = arith.constant 0 : i32
    %dma_wait3A_24 = arith.constant 0 : i32
    %dma_wait3A_25 = tpu.memref_slice %arg10[%dma_wait3A, %dma_wait3A_24] : memref<256x128xf32, #tpu.memory_space<vmem>> -> memref<128x128xf32, #tpu.memory_space<vmem>>
    %dma_wait3A_26 = arith.constant 0 : i32
    %dma_wait3A_27 = tpu.memref_slice %arg8[%dma_wait3A_26] : memref<512xi32, #tpu.memory_space<vmem>> -> memref<128xi32, #tpu.memory_space<vmem>>
    %dma_wait3A_28 = arith.constant 0 : i32
    %dma_wait3A_29 = arith.constant 0 : i32
    %dma_wait3A_30 = tpu.memref_slice %arg4[%dma_wait3A_28, %dma_wait3A_29] : memref<100000x128xf32, #tpu.memory_space<hbm>> -> memref<100000x128xf32, #tpu.memory_space<hbm>>
    tpu.wait_indirect_dma semaphore(%arg12 : memref<!tpu.dma_semaphore, #tpu.memory_space<semaphore_mem>>) src(%dma_wait3A_30 : memref<100000x128xf32, #tpu.memory_space<hbm>>) dst(%dma_wait3A_25 : memref<128x128xf32, #tpu.memory_space<vmem>>)
    %dma_wait3A_31 = arith.constant 128 : i32
    %dma_wait3A_32 = arith.constant 0 : i32
    %dma_wait3A_33 = tpu.memref_slice %arg10[%dma_wait3A_31, %dma_wait3A_32] : memref<256x128xf32, #tpu.memory_space<vmem>> -> memref<128x128xf32, #tpu.memory_space<vmem>>
    %dma_wait3A_34 = arith.constant 128 : i32
    %dma_wait3A_35 = tpu.memref_slice %arg8[%dma_wait3A_34] : memref<512xi32, #tpu.memory_space<vmem>> -> memref<128xi32, #tpu.memory_space<vmem>>
    %dma_wait3A_36 = arith.constant 0 : i32
    %dma_wait3A_37 = arith.constant 0 : i32
    %dma_wait3A_38 = tpu.memref_slice %arg4[%dma_wait3A_36, %dma_wait3A_37] : memref<100000x128xf32, #tpu.memory_space<hbm>> -> memref<100000x128xf32, #tpu.memory_space<hbm>>
    tpu.wait_indirect_dma semaphore(%arg12 : memref<!tpu.dma_semaphore, #tpu.memory_space<semaphore_mem>>) src(%dma_wait3A_38 : memref<100000x128xf32, #tpu.memory_space<hbm>>) dst(%dma_wait3A_33 : memref<128x128xf32, #tpu.memory_space<vmem>>)
    %add3A_39 = arith.constant 0 : i32
    %add3A_40 = arith.addi %mul3A_2, %add3A_39 : i32
    "tpu.region"() ({
      %run_scoped3A = tpu.sem_alloc : memref<!tpu.dma_semaphore, #tpu.memory_space<semaphore_mem>>
      %dma_start3A_81 = arith.constant 0 : i32
      %dma_start3A_82 = tpu.memref_slice %arg6[%add3A_40, %dma_start3A_81] : memref<16384x128xf32, #tpu.memory_space<hbm>> -> memref<256x128xf32, #tpu.memory_space<hbm>>
      %dma_start3A_83 = arith.constant 0 : i32
      %dma_start3A_84 = tpu.memref_slice %arg6[%add3A_40, %dma_start3A_83] : memref<16384x128xf32, #tpu.memory_space<hbm>> -> memref<256x128xf32, #tpu.memory_space<hbm>>
      tpu.enqueue_dma source(%arg10 : memref<256x128xf32, #tpu.memory_space<vmem>>) target(%dma_start3A_84 : memref<256x128xf32, #tpu.memory_space<hbm>>) target_semaphore(%run_scoped3A : memref<!tpu.dma_semaphore, #tpu.memory_space<semaphore_mem>>)
      %dma_wait3A_85 = arith.constant 0 : i32
      %dma_wait3A_86 = tpu.memref_slice %arg6[%add3A_40, %dma_wait3A_85] : memref<16384x128xf32, #tpu.memory_space<hbm>> -> memref<256x128xf32, #tpu.memory_space<hbm>>
      %dma_wait3A_87 = arith.constant 0 : i32
      %dma_wait3A_88 = tpu.memref_slice %arg6[%add3A_40, %dma_wait3A_87] : memref<16384x128xf32, #tpu.memory_space<hbm>> -> memref<256x128xf32, #tpu.memory_space<hbm>>
      tpu.wait_dma2 semaphore(%run_scoped3A : memref<!tpu.dma_semaphore, #tpu.memory_space<semaphore_mem>>) src(%arg10 : memref<256x128xf32, #tpu.memory_space<vmem>>) dst(%dma_wait3A_88 : memref<256x128xf32, #tpu.memory_space<hbm>>)
      tpu.yield
    }) : () -> ()
    %dma_start3A_41 = arith.constant 0 : i32
    %dma_start3A_42 = arith.constant 0 : i32
    %dma_start3A_43 = tpu.memref_slice %arg10[%dma_start3A_41, %dma_start3A_42] : memref<256x128xf32, #tpu.memory_space<vmem>> -> memref<128x128xf32, #tpu.memory_space<vmem>>
    %dma_start3A_44 = arith.constant 256 : i32
    %dma_start3A_45 = tpu.memref_slice %arg8[%dma_start3A_44] : memref<512xi32, #tpu.memory_space<vmem>> -> memref<128xi32, #tpu.memory_space<vmem>>
    %dma_start3A_46 = arith.constant 0 : i32
    %dma_start3A_47 = arith.constant 0 : i32
    %dma_start3A_48 = tpu.memref_slice %arg4[%dma_start3A_46, %dma_start3A_47] : memref<100000x128xf32, #tpu.memory_space<hbm>> -> memref<100000x128xf32, #tpu.memory_space<hbm>>
    tpu.enqueue_indirect_dma source(%dma_start3A_48 : memref<100000x128xf32, #tpu.memory_space<hbm>>) target(%dma_start3A_43 : memref<128x128xf32, #tpu.memory_space<vmem>>) offsets(%dma_start3A_45 : memref<128xi32, #tpu.memory_space<vmem>>) semaphore(%arg12 : memref<!tpu.dma_semaphore, #tpu.memory_space<semaphore_mem>>)
    %dma_start3A_49 = arith.constant 128 : i32
    %dma_start3A_50 = arith.constant 0 : i32
    %dma_start3A_51 = tpu.memref_slice %arg10[%dma_start3A_49, %dma_start3A_50] : memref<256x128xf32, #tpu.memory_space<vmem>> -> memref<128x128xf32, #tpu.memory_space<vmem>>
    %dma_start3A_52 = arith.constant 384 : i32
    %dma_start3A_53 = tpu.memref_slice %arg8[%dma_start3A_52] : memref<512xi32, #tpu.memory_space<vmem>> -> memref<128xi32, #tpu.memory_space<vmem>>
    %dma_start3A_54 = arith.constant 0 : i32
    %dma_start3A_55 = arith.constant 0 : i32
    %dma_start3A_56 = tpu.memref_slice %arg4[%dma_start3A_54, %dma_start3A_55] : memref<100000x128xf32, #tpu.memory_space<hbm>> -> memref<100000x128xf32, #tpu.memory_space<hbm>>
    tpu.enqueue_indirect_dma source(%dma_start3A_56 : memref<100000x128xf32, #tpu.memory_space<hbm>>) target(%dma_start3A_51 : memref<128x128xf32, #tpu.memory_space<vmem>>) offsets(%dma_start3A_53 : memref<128xi32, #tpu.memory_space<vmem>>) semaphore(%arg12 : memref<!tpu.dma_semaphore, #tpu.memory_space<semaphore_mem>>)
    %dma_wait3A_57 = arith.constant 0 : i32
    %dma_wait3A_58 = arith.constant 0 : i32
    %dma_wait3A_59 = tpu.memref_slice %arg10[%dma_wait3A_57, %dma_wait3A_58] : memref<256x128xf32, #tpu.memory_space<vmem>> -> memref<128x128xf32, #tpu.memory_space<vmem>>
    %dma_wait3A_60 = arith.constant 256 : i32
    %dma_wait3A_61 = tpu.memref_slice %arg8[%dma_wait3A_60] : memref<512xi32, #tpu.memory_space<vmem>> -> memref<128xi32, #tpu.memory_space<vmem>>
    %dma_wait3A_62 = arith.constant 0 : i32
    %dma_wait3A_63 = arith.constant 0 : i32
    %dma_wait3A_64 = tpu.memref_slice %arg4[%dma_wait3A_62, %dma_wait3A_63] : memref<100000x128xf32, #tpu.memory_space<hbm>> -> memref<100000x128xf32, #tpu.memory_space<hbm>>
    tpu.wait_indirect_dma semaphore(%arg12 : memref<!tpu.dma_semaphore, #tpu.memory_space<semaphore_mem>>) src(%dma_wait3A_64 : memref<100000x128xf32, #tpu.memory_space<hbm>>) dst(%dma_wait3A_59 : memref<128x128xf32, #tpu.memory_space<vmem>>)
    %dma_wait3A_65 = arith.constant 128 : i32
    %dma_wait3A_66 = arith.constant 0 : i32
    %dma_wait3A_67 = tpu.memref_slice %arg10[%dma_wait3A_65, %dma_wait3A_66] : memref<256x128xf32, #tpu.memory_space<vmem>> -> memref<128x128xf32, #tpu.memory_space<vmem>>
    %dma_wait3A_68 = arith.constant 384 : i32
    %dma_wait3A_69 = tpu.memref_slice %arg8[%dma_wait3A_68] : memref<512xi32, #tpu.memory_space<vmem>> -> memref<128xi32, #tpu.memory_space<vmem>>
    %dma_wait3A_70 = arith.constant 0 : i32
    %dma_wait3A_71 = arith.constant 0 : i32
    %dma_wait3A_72 = tpu.memref_slice %arg4[%dma_wait3A_70, %dma_wait3A_71] : memref<100000x128xf32, #tpu.memory_space<hbm>> -> memref<100000x128xf32, #tpu.memory_space<hbm>>
    tpu.wait_indirect_dma semaphore(%arg12 : memref<!tpu.dma_semaphore, #tpu.memory_space<semaphore_mem>>) src(%dma_wait3A_72 : memref<100000x128xf32, #tpu.memory_space<hbm>>) dst(%dma_wait3A_67 : memref<128x128xf32, #tpu.memory_space<vmem>>)
    %add3A_73 = arith.constant 256 : i32
    %add3A_74 = arith.addi %mul3A_2, %add3A_73 : i32
    "tpu.region"() ({
      %run_scoped3A = tpu.sem_alloc : memref<!tpu.dma_semaphore, #tpu.memory_space<semaphore_mem>>
      %dma_start3A_81 = arith.constant 0 : i32
      %dma_start3A_82 = tpu.memref_slice %arg6[%add3A_74, %dma_start3A_81] : memref<16384x128xf32, #tpu.memory_space<hbm>> -> memref<256x128xf32, #tpu.memory_space<hbm>>
      %dma_start3A_83 = arith.constant 0 : i32
      %dma_start3A_84 = tpu.memref_slice %arg6[%add3A_74, %dma_start3A_83] : memref<16384x128xf32, #tpu.memory_space<hbm>> -> memref<256x128xf32, #tpu.memory_space<hbm>>
      tpu.enqueue_dma source(%arg10 : memref<256x128xf32, #tpu.memory_space<vmem>>) target(%dma_start3A_84 : memref<256x128xf32, #tpu.memory_space<hbm>>) target_semaphore(%run_scoped3A : memref<!tpu.dma_semaphore, #tpu.memory_space<semaphore_mem>>)
      %dma_wait3A_85 = arith.constant 0 : i32
      %dma_wait3A_86 = tpu.memref_slice %arg6[%add3A_74, %dma_wait3A_85] : memref<16384x128xf32, #tpu.memory_space<hbm>> -> memref<256x128xf32, #tpu.memory_space<hbm>>
      %dma_wait3A_87 = arith.constant 0 : i32
      %dma_wait3A_88 = tpu.memref_slice %arg6[%add3A_74, %dma_wait3A_87] : memref<16384x128xf32, #tpu.memory_space<hbm>> -> memref<256x128xf32, #tpu.memory_space<hbm>>
      tpu.wait_dma2 semaphore(%run_scoped3A : memref<!tpu.dma_semaphore, #tpu.memory_space<semaphore_mem>>) src(%arg10 : memref<256x128xf32, #tpu.memory_space<vmem>>) dst(%dma_wait3A_88 : memref<256x128xf32, #tpu.memory_space<hbm>>)
      tpu.yield
    }) : () -> ()
    %dma_wait3A_75 = arith.constant 0 : i32
    %dma_wait3A_76 = arith.constant 0 : i32
    %dma_wait3A_77 = tpu.memref_slice %arg5[%dma_wait3A_75, %dma_wait3A_76] : memref<1000000x64xf32, #tpu.memory_space<hbm>> -> memref<512x64xf32, #tpu.memory_space<hbm>>
    %dma_wait3A_78 = arith.constant 0 : i32
    %dma_wait3A_79 = arith.constant 0 : i32
    %dma_wait3A_80 = tpu.memref_slice %arg5[%dma_wait3A_78, %dma_wait3A_79] : memref<1000000x64xf32, #tpu.memory_space<hbm>> -> memref<512x64xf32, #tpu.memory_space<hbm>>
    tpu.wait_dma2 semaphore(%arg13 : memref<!tpu.dma_semaphore, #tpu.memory_space<semaphore_mem>>) src(%dma_wait3A_80 : memref<512x64xf32, #tpu.memory_space<hbm>>) dst(%arg11 : memref<512x64xf32, #tpu.memory_space<vmem>>)
    "tpu.region"() ({
      %run_scoped3A = tpu.sem_alloc : memref<!tpu.dma_semaphore, #tpu.memory_space<semaphore_mem>>
      %dma_start3A_81 = arith.constant 0 : i32
      %dma_start3A_82 = tpu.memref_slice %arg7[%mul3A_2, %dma_start3A_81] : memref<16384x64xf32, #tpu.memory_space<hbm>> -> memref<512x64xf32, #tpu.memory_space<hbm>>
      %dma_start3A_83 = arith.constant 0 : i32
      %dma_start3A_84 = tpu.memref_slice %arg7[%mul3A_2, %dma_start3A_83] : memref<16384x64xf32, #tpu.memory_space<hbm>> -> memref<512x64xf32, #tpu.memory_space<hbm>>
      tpu.enqueue_dma source(%arg11 : memref<512x64xf32, #tpu.memory_space<vmem>>) target(%dma_start3A_84 : memref<512x64xf32, #tpu.memory_space<hbm>>) target_semaphore(%run_scoped3A : memref<!tpu.dma_semaphore, #tpu.memory_space<semaphore_mem>>)
      %dma_wait3A_85 = arith.constant 0 : i32
      %dma_wait3A_86 = tpu.memref_slice %arg7[%mul3A_2, %dma_wait3A_85] : memref<16384x64xf32, #tpu.memory_space<hbm>> -> memref<512x64xf32, #tpu.memory_space<hbm>>
      %dma_wait3A_87 = arith.constant 0 : i32
      %dma_wait3A_88 = tpu.memref_slice %arg7[%mul3A_2, %dma_wait3A_87] : memref<16384x64xf32, #tpu.memory_space<hbm>> -> memref<512x64xf32, #tpu.memory_space<hbm>>
      tpu.wait_dma2 semaphore(%run_scoped3A : memref<!tpu.dma_semaphore, #tpu.memory_space<semaphore_mem>>) src(%arg11 : memref<512x64xf32, #tpu.memory_space<vmem>>) dst(%dma_wait3A_88 : memref<512x64xf32, #tpu.memory_space<hbm>>)
      tpu.yield
    }) : () -> ()
    return
  }
}

module attributes {stable_mosaic.version = 14 : i64} {
  func.func @_tc_merge_fn(%arg0: i32, %arg1: memref<1024x128xf32, #tpu.memory_space<vmem>>, %arg2: memref<1024x64xf32, #tpu.memory_space<vmem>>, %arg3: memref<1024x1xi32, #tpu.memory_space<vmem>>, %arg4: memref<128x64xf32, #tpu.memory_space<vmem>>, %arg5: memref<1024x64xf32, #tpu.memory_space<vmem>>) attributes {dimension_semantics = [#tpu.dimension_semantics<arbitrary>], iteration_bounds = array<i64: 16>, scalar_prefetch = 0 : i64, scratch_operands = 0 : i64, tpu.core_type = #tpu.core_type<tc>, window_params = [{transform_indices = @transform_0, window_bounds = array<i64: 1024, 128>}, {transform_indices = @transform_1, window_bounds = array<i64: 1024, 64>}, {transform_indices = @transform_2, window_bounds = array<i64: 1024, 1>}, {pipeline_mode = #tpu.pipeline_mode<synchronous>, transform_indices = @transform_3, window_bounds = array<i64: 128, 64>}, {transform_indices = @transform_4, window_bounds = array<i64: 1024, 64>}]} {
    %get3A = arith.constant 0 : index
    %get3A_0 = arith.constant 0 : index
    %get3A_1 = vector.load %arg1[%get3A, %get3A_0] : memref<1024x128xf32, #tpu.memory_space<vmem>>, vector<1024x128xf32>
    %get3A_2 = arith.constant 0 : index
    %get3A_3 = arith.constant 0 : index
    %get3A_4 = vector.load %arg4[%get3A_2, %get3A_3] : memref<128x64xf32, #tpu.memory_space<vmem>>, vector<128x64xf32>
    %dot_general3A = arith.constant dense<0.000000e+00> : vector<1024x64xf32>
    %dot_general3A_5 = tpu.matmul %get3A_1, %get3A_4, %dot_general3A {dimension_numbers = #tpu.dot_dimension_numbers<[1], [0], [0], [1], [0, 0, 1, 1], [], []>, transpose_lhs_hint = false} : vector<1024x128xf32>, vector<128x64xf32>, vector<1024x64xf32> -> vector<1024x64xf32>
    %get3A_6 = arith.constant 0 : index
    %get3A_7 = arith.constant 0 : index
    %get3A_8 = vector.load %arg3[%get3A_6, %get3A_7] : memref<1024x1xi32, #tpu.memory_space<vmem>>, vector<1024x1xi32>
    %eq3A = arith.constant 0 : i32
    %eq3A_9 = vector.broadcast %eq3A : i32 to vector<1024x1xi32>
    %eq3A_10 = arith.cmpi eq, %get3A_8, %eq3A_9 : vector<1024x1xi32>
    %get3A_11 = arith.constant 0 : index
    %get3A_12 = arith.constant 0 : index
    %get3A_13 = vector.load %arg2[%get3A_11, %get3A_12] : memref<1024x64xf32, #tpu.memory_space<vmem>>, vector<1024x64xf32>
    %broadcast_in_dim3A = vector.shape_cast %eq3A_10 : vector<1024x1xi1> to vector<1024x1xi1>
    %broadcast_in_dim3A_14 = vector.broadcast %broadcast_in_dim3A : vector<1024x1xi1> to vector<1024x64xi1>
    %select_n3A = arith.select %broadcast_in_dim3A_14, %dot_general3A_5, %get3A_13 : vector<1024x64xi1>, vector<1024x64xf32>
    %swap3A = arith.constant 0 : index
    %swap3A_15 = arith.constant 0 : index
    %swap3A_16 = vector.load %arg5[%swap3A, %swap3A_15] : memref<1024x64xf32, #tpu.memory_space<vmem>>, vector<1024x64xf32>
    tpu.vector_store %arg5[%swap3A, %swap3A_15], %select_n3A {strides = array<i32>} : memref<1024x64xf32, #tpu.memory_space<vmem>>, vector<1024x64xf32>,
    return
  }
  func.func @transform_0(%arg0: i32) -> (i32, i32) {
    %c0_i32 = arith.constant 0 : i32
    %c0_i32_0 = arith.constant 0 : i32
    return %arg0, %c0_i32 : i32, i32
  }
  func.func @transform_1(%arg0: i32) -> (i32, i32) {
    %c0_i32 = arith.constant 0 : i32
    %c0_i32_0 = arith.constant 0 : i32
    return %arg0, %c0_i32 : i32, i32
  }
  func.func @transform_2(%arg0: i32) -> (i32, i32) {
    %c0_i32 = arith.constant 0 : i32
    %c0_i32_0 = arith.constant 0 : i32
    return %arg0, %c0_i32 : i32, i32
  }
  func.func @transform_3(%arg0: i32) -> (i32, i32) {
    %c0_i32 = arith.constant 0 : i32
    %c0_i32_0 = arith.constant 0 : i32
    %c0_i32_1 = arith.constant 0 : i32
    return %c0_i32, %c0_i32_0 : i32, i32
  }
  func.func @transform_4(%arg0: i32) -> (i32, i32) {
    %c0_i32 = arith.constant 0 : i32
    %c0_i32_0 = arith.constant 0 : i32
    return %arg0, %c0_i32 : i32, i32
  }
}

</mosaic_0001>

<sc_bundles>
// kernel: kernel.4.cloned.1.call-start
scs
__scs_entry_jumppad:
0x0: {  	(pc) =	sbr.rel $0x88, $3  }
0x1: {  	(tag) =	ssettag $0x0;
	lr =	simm.s32 $0x1  }
0x2: {  	[smem:$0x3F9B] =	sst lr;
	_ =	strace $0xD0000000  }
0x3: {  	_ = 	snop  }
0x4: {  	_ = 	snop  }
0x5: {  	_ = 	snop  }
0x6: {  	_ = 	snop  }
0x7: {  	_ = 	snop  }
__scs_overlays_trampoline_lowered:
0x8: {  	[smem:$0x3FAA] =	sst s0  }
0x9: {  	[smem:$0x3FAB] =	sst s1  }
0xa: {  	[smem:$0x3FAC] =	sst s2  }
0xb: {  	[smem:$0x3FAD] =	sst s3  }
0xc: {  	[smem:$0x3FAE] =	sst s4  }
0xd: {  	[smem:$0x3FAF] =	sst s5  }
0xe: {  	[smem:$0x3FB0] =	sst s6  }
0xf: {  	[smem:$0x3FB1] =	sst s7  }
0x10: {  	[smem:$0x3FB2] =	sst s8  }
0x11: {  	[smem:$0x3FB3] =	sst s9;
	s0 =	simm.s32 @!p0 $0x0  }
0x12: {  	s1 =	sld [smem:$0x3F99];
	s0 =	simm.s32 @p0 $0x1  }
0x13: {  	[smem:$0x3FB4] =	sst s0;
	s0 =	simm.s32 @!p1 $0x0  }
0x14: {  	s2 =	sld [smem:$0x3F98];
	s0 =	simm.s32 @p1 $0x1  }
0x15: {  	[smem:$0x3FB5] =	sst s0;
	s0 =	simm.s32 @!p2 $0x0  }
0x16: {  	s3 =	sld [smem:$0x3FDB];
	s0 =	simm.s32 @p2 $0x1  }
0x17: {  	s4 =	simm.s32 $0x1BF5;
	[smem:$0x3FB7] =	sst s0  }
0x18: {  	s0 =	sld [smem:$0x3F9A];
	_ =	swait.ge [sflag:s4], $0x0  }
0x19: {  	s7 =	sld [smem:$0x3F9B]  }
0x1a: {  	s8 =	sadd.s32 $0xFFFFE003, lr  }
0x1b: {  	s9 =	sadd.s32 $0xFFFFFEF7, lr;
	s5 =	simm.s32 $0xFFFFFFFF;
	p2 =	slt.u32 s8, $0xFFFFF086  }
0x1c: {  	p1 =	slt.u32 s9, $0xF7A;
	s5 =	simm.s32 @!p2 $0x0  }
0x1d: {  	s5 =	simm.s32 @p1 $0x1;
	p0 =	seq.s32 s7, s2  }
0x1e: {  	s7 =	smul.u32 @!p0 $0xF7A, s2;
	p2 =	seq.s32 @!p0 s5, $0x0  }
0x1f: {  	s9 =	smul.u32 $0xF7A, s1;
	s8 =	simm.s32 @!p0 $0x1BF5;
	p2 =	por !p2, p0  }
0x20: {  	[sflag:s8] =	ssyncset.s32 @!p0 $0xFFFFF086;
	s6 =	sadd.s32 @!p0 s3, s7;
	s7 =	simm.s32 @!p0 $0x108  }
0x21: {  	s3 =	sadd.s32 s3, s9;
	s6 =	sadd.s32 @!p0 $0x88, s6;
	s7 =	simm.s32 @p2 $0x1082  }
0x22: {  	[simem:s7], [sflag:s8] =	dma.local @!p0 [hbm:s6], $0xF7A  }
0x23: {  	s9 =	sor.u32 $0xD0000000, s2;
	s6 =	simm.s32 $0x108;
	_ =	swait.ge @!p0 [sflag:s8], $0x0  }
0x24: {  	s3 =	sadd.s32 $0x88, s3;
	s6 =	simm.s32 @!p1 $0x1082;
	[sflag:s4] =	ssyncset.s32 $0xFFFFF086  }
0x25: {  	[simem:s6], [sflag:s4] =	dma.local [hbm:s3], $0xF7A  }
0x26: {  	[smem:$0x3F9B] =	sst s1;
	(tag) =	ssettag s2;
	_ =	strace s9  }
0x27: {  	s1 =	sld [smem:$0x3FAB]  }
0x28: {  	s2 =	sld [smem:$0x3FAC]  }
0x29: {  	s4 =	sld [smem:$0x3FAE]  }
0x2a: {  	p0 =	seq.s32 s5, $0x0;
	s5 =	sld [smem:$0x3FAF]  }
0x2b: {  	s6 =	sld [smem:$0x3FB0]  }
0x2c: {  	s7 =	sld [smem:$0x3FB1]  }
0x2d: {  	s3 =	simm.s32 $0x108;
	s8 =	sld [smem:$0x3FB2]  }
0x2e: {  	s3 =	simm.s32 @!p0 $0x1082;
	s9 =	sld [smem:$0x3FB3]  }
0x2f: {  	lr =	sadd.s32 s0, s3;
	s0 =	sld [smem:$0x3FAA]  }
0x30: {  	s3 =	sld [smem:$0x3FAD]  }
0x31: {  	[smem:$0x3FB6] =	sst s10  }
0x32: {  	s10 =	sld [smem:$0x3FB4];
	_ =	sdelay $0x3  }
0x33: {  	p0 =	seq.s32 s10, $0x1;
	s10 =	sld [smem:$0x3FB6];
	_ =	sdelay $0x3  }
0x34: {  	[smem:$0x3FB6] =	sst s10  }
0x35: {  	s10 =	sld [smem:$0x3FB5];
	_ =	sdelay $0x3  }
0x36: {  	p1 =	seq.s32 s10, $0x1;
	s10 =	sld [smem:$0x3FB6];
	_ =	sdelay $0x3  }
0x37: {  	[smem:$0x3FB6] =	sst s10  }
0x38: {  	s10 =	sld [smem:$0x3FB7]  }
0x39: {  	_ = 	snop;
	(pc) =	sbr.ind lr, $3  }
0x3a: {  	_ = 	snop  }
0x3b: {  	_ = 	snop  }
0x3c: {  	p2 =	seq.s32 s10, $0x1;
	s10 =	sld [smem:$0x3FB6]  }
0x3d: {  	_ =	shalt  }
0x3e: {  	_ =	shalt  }
0x3f: {  	_ =	shalt  }
0x40: {  	_ =	shalt  }
0x41: {  	_ =	shalt  }
0x42: {  	_ =	shalt  }
0x43: {  	_ =	shalt  }
0x44: {  	_ =	shalt  }
0x45: {  	_ =	shalt  }
0x46: {  	_ =	shalt  }
0x47: {  	_ =	shalt  }
0x48: {  	_ =	shalt  }
0x49: {  	_ =	shalt  }
0x4a: {  	_ =	shalt  }
0x4b: {  	_ =	shalt  }
0x4c: {  	_ =	shalt  }
0x4d: {  	_ =	shalt  }
0x4e: {  	_ =	shalt  }
0x4f: {  	_ =	shalt  }
0x50: {  	_ =	shalt  }
0x51: {  	_ =	shalt  }
0x52: {  	_ =	shalt  }
0x53: {  	_ =	shalt  }
0x54: {  	_ =	shalt  }
0x55: {  	_ =	shalt  }
0x56: {  	_ =	shalt  }
0x57: {  	_ =	shalt  }
0x58: {  	_ =	shalt  }
0x59: {  	_ =	shalt  }
0x5a: {  	_ =	shalt  }
0x5b: {  	_ =	shalt  }
0x5c: {  	_ =	shalt  }
0x5d: {  	_ =	shalt  }
0x5e: {  	_ =	shalt  }
0x5f: {  	_ =	shalt  }
0x60: {  	_ =	shalt  }
0x61: {  	_ =	shalt  }
0x62: {  	_ =	shalt  }
0x63: {  	_ =	shalt  }
0x64: {  	_ =	shalt  }
0x65: {  	_ =	shalt  }
0x66: {  	_ =	shalt  }
0x67: {  	_ =	shalt  }
0x68: {  	_ =	shalt  }
0x69: {  	_ =	shalt  }
0x6a: {  	_ =	shalt  }
0x6b: {  	_ =	shalt  }
0x6c: {  	_ =	shalt  }
0x6d: {  	_ =	shalt  }
0x6e: {  	_ =	shalt  }
0x6f: {  	_ =	shalt  }
0x70: {  	_ =	shalt  }
0x71: {  	_ =	shalt  }
0x72: {  	_ =	shalt  }
0x73: {  	_ =	shalt  }
0x74: {  	_ =	shalt  }
0x75: {  	_ =	shalt  }
0x76: {  	_ =	shalt  }
0x77: {  	_ =	shalt  }
0x78: {  	_ =	shalt  }
0x79: {  	_ =	shalt  }
0x7a: {  	_ =	shalt  }
0x7b: {  	_ =	shalt  }
0x7c: {  	_ =	shalt  }
0x7d: {  	_ =	shalt  }
0x7e: {  	_ =	shalt  }
0x7f: {  	_ =	shalt  }
0x80: {  	_ =	shalt  }
0x81: {  	_ =	shalt  }
0x82: {  	_ =	shalt  }
0x83: {  	_ =	shalt  }
0x84: {  	_ =	shalt  }
0x85: {  	_ =	shalt  }
0x86: {  	_ =	shalt  }
0x87: {  	_ =	shalt  }
.Lfunc_end0:
.L_simem_size_0:
called_computation_lowered:
.L_overlay_start_0:
0x88: {  	s2 =	sld [smem:$0x3FD9]  }
0x89: {  	s3 =	sld [smem:$0x3FFE];
	_ =	sdelay $0x1  }
0x8a: {  	s1 =	srdreg.scid  }
0x8b: {  	s0 =	sand.u32 $0x1, s1  }
0x8c: {  	s17 =	sshll.u32 s0, $0xA;
	s2 =	sadd.s32 s3, s2  }
0x8d: {  	s2 =	sadd.s32 s2, s17  }
0x8e: {  	[smem:$0x3FC2] =	sst s2  }
0x8f: {  	_ = 	snop  }
0x90: {  	s2 =	sld [smem:$0x3FC9]  }
0x91: {  	s18 =	sld [smem:$0x3FC7]  }
0x92: {  	s4 =	sld [smem:$0x3FC6];
	(tm) =	ssettm $0x1  }
0x93: {  	s5 =	sld [smem:$0x3FFB];
	_ =	sdelay $0x3  }
0x94: {  	_ =	strace s5  }
0x95: {  	s5 =	sld [smem:$0x3FFC];
	_ =	sdelay $0x3  }
0x96: {  	_ =	strace s5  }
0x97: {  	s5 =	sld [smem:$0x3FFD];
	_ =	sdelay $0x3  }
0x98: {  	_ =	strace s5  }
0x99: {  	_ =	strace $0x8FFFFFFF  }
0x9a: {  	s19 =	sld [smem:$0x3FDB];
	_ =	sdelay $0x1  }
0x9b: {  	s6 =	simm.s32 $_scs_section_size  }
0x9c: {  	s7 =	simm.s32 $_size__tile_overlayer_lowered;
	s8 =	simm.s32 $_tile_overlayer_lowered  }
0x9d: {  	s22 =	simm.s32 $0x1BFF;
	s21 =	sshll.u32 s8, $0x1;
	s5 =	sadd.s32 s6, s19  }
0x9e: {  	s9 =	simm.s32 $0x0;
	s20 =	sshll.u32 s7, $0x1;
	s7 =	sadd.s32 s21, s5  }
0x9f: {  	[timem:s9], [sflag:s22] =	dma.local [hbm:s7], s20  }
0xa0: {  	_ =	swait.ge [sflag:s22], s20  }
0xa1: {  	s6 =	ssub.s32 $0x0, s20;
	[sflag:s22] =	ssyncset.done $0x0  }
0xa2: {  	[sflag:s22] =	ssyncadd.s32 s6;
	_ =	sdelay $0x1  }
0xa3: {  	s23 =	simm.s32 $0x1B8B  }
0xa4: {  	_ =	swait.ge [sflag:s23], $0x1  }
0xa5: {  	[sflag:s23] =	ssyncset.done $0x0  }
0xa6: {  	s25 =	simm.s32 $0x1B8E;
	s24 =	sld [smem:$0x3FFE];
	[sflag:s23] =	ssyncadd.s32 $0xFFFFFFFF  }
0xa7: {  	s26 =	simm.s32 $execute0_lowered;
	[smem:$0x3FD2] =	sst s25  }
0xa8: {  	s7 =	sshll.u32 s26, $0x1;
	_ =	strace $0x80000046;
	[dreg:$0x1] =	wrdreg $0xFFFFFFFF  }
0xa9: {  	s28 =	simm.s32 $_size_execute0_lowered;
	s5 =	sadd.s32 s5, s7;
	[dreg:$0x0] =	wrdreg $0x0  }
0xaa: {  	s7 =	sshll.u32 s28, $0x1;
	[dreg:$0x2] =	wrdreg s5  }
0xab: {  	[dreg:$0x3] =	wrdreg s7  }
0xac: {  	[dreg:$0x4] =	wrdreg $0xC0  }
0xad: {  	_ =	task [dreg:s9], $0x5FFFF  }
0xae: {  	[dreg:$0x1] =	wrdreg $0xFFFFFFFF  }
0xaf: {  	[dreg:$0x0] =	wrdreg $0x60  }
0xb0: {  	[dreg:$0x2] =	wrdreg s18  }
0xb1: {  	[dreg:$0x3] =	wrdreg s2  }
0xb2: {  	[dreg:$0x4] =	wrdreg s4  }
0xb3: {  	[dreg:$0x5] =	wrdreg s24  }
0xb4: {  	[dreg:$0x6] =	wrdreg $0x9  }
0xb5: {  	_ =	task.clear_ibuf [dreg:s9], $0x7FFFF;
	_ =	strace $0x90000046  }
0xb6: {  	s29 =	simm.s32 $0x9;
	_ =	strace $0x80000048  }
0xb7: {  	_ =	swait.ge [sflag:s29], $0x1  }
0xb8: {  	[sflag:s29] =	ssyncadd.s32 $0xFFFFFFFF  }
0xb9: {  	_ =	strace $0x90000048  }
0xba: {  	_ =	sfence  }
0xbb: {  	s30 =	sld [smem:$0x0];
	_ =	sdelay $0x2  }
0xbc: {  	s31 =	sshll.u32 s1, $0xD;
	s1 =	sshrl.u32 s1, $0x2  }
0xbd: {  	s3 =	sand.u32 $0x4000, s31;
	s1 =	sadd.s32 s1, s30  }
0xbe: {  	s0 =	sor.u32 s3, s0;
	s1 =	sshll.u32 s1, $0x11  }
0xbf: {  	s0 =	sor.u32 s1, s0  }
0xc0: {  	s0 =	sadd.s32 $0x8F2B, s0  }
0xc1: {  	[sflag:s0] =	ssyncadd.remote.s32 $0x1  }
0xc2: {  	_ =	sfence.sel $0xFFFF  }
0xc3: {  	[dreg:$0x0] =	wrdreg $0xFFFFFFFF;
	(pc) =	sbr.abs _section_cstart, $3  }
0xc4: {  	[dreg:$0x1] =	wrdreg $0xFFFFFFFF  }
0xc5: {  	_ =	task.clear_ibuf [dreg:s9], $0x2FFFF;
	_ =	strace $0x9FFFFFFF  }
0xc6: {  	(tm) =	ssettm $0x7FFFFFFF  }
0xc7: {  	_ =	shalt  }
tec
execute0_lowered:
.L_overlay_start_1:
0x0: {  	(tag) =	ssettag $0x1  }
0x1: {  	s0 =	rddreg [dreg:$0x0]  }
0x2: {  	s2 =	rddreg [dreg:$0x1]  }
0x3: {  	s1 =	rddreg [dreg:$0x2]  }
0x4: {  	s5 =	rddreg [dreg:$0x3];
	s3 =	simm.s32 $0x0;
	s4 =	srdreg.scid  }
0x5: {  	s7 =	stileid.u32;
	s12 =	simm.s32 $0x80;
	s13 =	simm.s32 $0x400  }
0x6: {  	s15 =	simm.s32 $0x1;
	s18 =	simm.s32 $0x2;
	s6 =	sand.u32 $0x1, s4  }
0x7: {  	s20 =	simm.s32 $0x0;
	s7 =	sshll.u32 s7, $0xA;
	s8 =	sshll.u32 s6, $0x9  }
0x8: {  	[smem:$0x7FF] =	sst s3;
	s4 =	sadd.s32 $0xE00, s5;
	s7 =	sor.u32 s8, s7  }
0x9: {  	s6 =	ssub.s32 $0x2, s6;
	s8 =	sshll.u32 s7, $0x4;
	s7 =	sshrl.u32 s7, $0x3  }
0xa: {  	_ =	strace $0x80000047;
	s9 =	sshrl.u32 s6, $0x1;
	s0 =	sadd.s32 s0, s7  }
0xb: {  	s10 =	sadd.s32 s8, s5;
	s29 =	sadd.s32 s2, s7;
	[dreg:$0x5] =	wrdreg s0  }
0xc: {  	s11 =	ssub.s32 s6, s9;
	[dreg:$0x6] =	wrdreg s29;
	s30 =	sadd.s32 $0xF43200, s10  }
0xd: {  	s31 =	sadd.s32 $0xF44200, s10;
	s9 =	sadd.s32 $0xF83200, s10;
	[dreg:$0x7] =	wrdreg s30  }
0xe: {  	s10 =	smax.u32 s11, $0x1;
	s11 =	simm.s32 $0x3;
	[dreg:$0x8] =	wrdreg s31  }
.LBB2_1:
0xf: {  	s0 =	rddreg [dreg:$0x5]  }
0x10: {  	[tilespmem:s3], [sflag:$0x3] =	stream.linear.gather [hbm4b:s0+s3], $0x200, $0x38;
	[tilespmem:$0x18400] =	vst v63  }
0x11: {  	_ =	swait.ge [sflag:s11], $0x200  }
0x12: {  	[sflag:s11] =	ssyncset.done $0x0  }
0x13: {  	s22 =	simm.s32 $0x200;
	s31 =	rddreg [dreg:$0x6];
	[sflag:s11] =	ssyncadd.s32 $0xFFFFFE00  }
0x14: {  	[tilespmem:s22], [sflag:$0x3] =	stream.linear.gather [hbm4b:s31+s3], $0x200, $0x38;
	[tilespmem:$0x18400] =	vst v63  }
0x15: {  	_ =	swait.ge [sflag:s11], $0x200  }
0x16: {  	[sflag:s11] =	ssyncset.done $0x0  }
0x17: {  	[sflag:s11] =	ssyncadd.s32 $0xFFFFFE00  }
0x18: {  	v0 =	vld [tilespmem:s22+$0x0];
	_ =	sdelay $0x4  }
0x19: {  	v0 =	vshll.u32 v0, $0x4  }
0x1a: {  	(v2sf) =	vpush v0, $0x0  }
0x1b: {  	(v2sf) =	vpush v0, $0x1  }
0x1c: {  	(v2sf) =	vpush v0, $0x2;
	_ =	sdelay $0x1  }
0x1d: {  	(v2sf) =	vpush v0, $0x4;
	_ =	sdelay $0x1  }
0x1e: {  	(v2sf) =	vpush v0, $0x3  }
0x1f: {  	(v2sf) =	vpush v0, $0x5  }
0x20: {  	s23 =	simm.s32 $0x2000;
	s21 =	simm.s32 $0x0;
	(v2sf) =	vpush v0, $0x6  }
.LBB2_2:
0x21: {  	p0 =	sne.s32 s23, $0x3E000  }
0x22: {  	s16 =	sadd.s32 $0x8480, s21;
	s28 =	sadd.s32 $0x8980, s21;
	s24 =	smov.u32 s23  }
0x23: {  	s23 =	sadd.s32 $0x2000, s23;
	s31 =	sadd.s32 $0x8780, s21;
	s25 =	sadd.s32 $0x8A00, s21;
	(v2sf) =	vpush v0, $0x7  }
0x24: {  	s2 =	sadd.s32 $0x8680, s21;
	s30 =	sadd.s32 $0x8800, s21;
	s26 =	sadd.s32 $0x8A80, s21  }
0x25: {  	s17 =	sadd.s32 $0x8400, s21;
	s19 =	sadd.s32 $0x8600, s21;
	(v2sf) =	vpush v0, $0x8  }
0x26: {  	s5 =	sadd.s32 $0x8700, s21;
	s22 =	sadd.s32 $0x10, s22  }
0x27: {  	s6 =	sadd.s32 $0x8500, s21;
	s29 =	sadd.s32 $0x8900, s21;
	s0 =	spop (v2sf);
	(v2sf) =	vpush v0, $0x9  }
0x28: {  	s7 =	sand.u32 $0x1FFFFFF0, s0;
	s0 =	sadd.s32 $0x8880, s21;
	s8 =	spop (v2sf)  }
0x29: {  	s7 =	sadd.s32 s4, s7;
	s8 =	sand.u32 $0x1FFFFFF0, s8;
	s14 =	spop (v2sf);
	(v2sf) =	vpush v0, $0xA  }
0x2a: {  	[tilespmem:s17], [sflag:$0x2] =	stream.linear.gather [hbm4b:s7+s3], $0x80, $0x38;
	[tilespmem:$0x18400] =	vst v63  }
0x2b: {  	s7 =	sadd.s32 s4, s8;
	s8 =	sadd.s32 $0x8580, s21;
	s17 =	spop (v2sf);
	(v2sf) =	vpush v0, $0xB  }
0x2c: {  	[tilespmem:s16], [sflag:$0x2] =	stream.linear.gather [hbm4b:s7+s3], $0x80, $0x38;
	[tilespmem:$0x18400] =	vst v63  }
0x2d: {  	s7 =	sand.u32 $0x1FFFFFF0, s14;
	s14 =	sand.u32 $0x1FFFFFF0, s17;
	s16 =	spop (v2sf);
	(v2sf) =	vpush v0, $0xC  }
0x2e: {  	s7 =	sadd.s32 s4, s7;
	s16 =	sand.u32 $0x1FFFFFF0, s16;
	s17 =	spop (v2sf)  }
0x2f: {  	[tilespmem:s6], [sflag:$0x2] =	stream.linear.gather [hbm4b:s7+s3], $0x80, $0x38;
	(v2sf) =	vpush v0, $0xD;
	[tilespmem:$0x18400] =	vst v63  }
0x30: {  	s6 =	sadd.s32 s4, s16;
	s7 =	sand.u32 $0x1FFFFFF0, s17;
	s16 =	spop (v2sf)  }
0x31: {  	[tilespmem:s8], [sflag:$0x2] =	stream.linear.gather [hbm4b:s6+s3], $0x80, $0x38;
	(v2sf) =	vpush v0, $0xE;
	[tilespmem:$0x18400] =	vst v63  }
0x32: {  	s6 =	sadd.s32 s4, s14;
	s8 =	sand.u32 $0x1FFFFFF0, s16;
	s14 =	spop (v2sf)  }
0x33: {  	[tilespmem:s19], [sflag:$0x2] =	stream.linear.gather [hbm4b:s6+s3], $0x80, $0x38;
	(v2sf) =	vpush v0, $0xF;
	[tilespmem:$0x18400] =	vst v63  }
0x34: {  	s6 =	sadd.s32 s4, s7;
	s7 =	sand.u32 $0x1FFFFFF0, s14;
	s14 =	spop (v2sf)  }
0x35: {  	[tilespmem:s2], [sflag:$0x2] =	stream.linear.gather [hbm4b:s6+s3], $0x80, $0x38;
	[tilespmem:$0x18400] =	vst v63  }
0x36: {  	s2 =	sadd.s32 s4, s8;
	s6 =	sand.u32 $0x1FFFFFF0, s14;
	s8 =	spop (v2sf)  }
0x37: {  	[tilespmem:s5], [sflag:$0x2] =	stream.linear.gather [hbm4b:s2+s3], $0x80, $0x38;
	[tilespmem:$0x18400] =	vst v63  }
0x38: {  	s2 =	sadd.s32 s4, s7;
	s5 =	sand.u32 $0x1FFFFFF0, s8;
	s7 =	spop (v2sf)  }
0x39: {  	[tilespmem:s31], [sflag:$0x2] =	stream.linear.gather [hbm4b:s2+s3], $0x80, $0x38;
	[tilespmem:$0x18400] =	vst v63  }
0x3a: {  	s2 =	sadd.s32 s4, s6;
	s6 =	sand.u32 $0x1FFFFFF0, s7;
	s7 =	spop (v2sf)  }
0x3b: {  	[tilespmem:s30], [sflag:$0x2] =	stream.linear.gather [hbm4b:s2+s3], $0x80, $0x38;
	[tilespmem:$0x18400] =	vst v63  }
0x3c: {  	s2 =	sadd.s32 s4, s5;
	s5 =	sand.u32 $0x1FFFFFF0, s7;
	s7 =	spop (v2sf)  }
0x3d: {  	[tilespmem:s0], [sflag:$0x2] =	stream.linear.gather [hbm4b:s2+s3], $0x80, $0x38;
	[tilespmem:$0x18400] =	vst v63  }
0x3e: {  	s0 =	sadd.s32 s4, s6;
	s2 =	sand.u32 $0x1FFFFFF0, s7;
	s6 =	spop (v2sf)  }
0x3f: {  	[tilespmem:s29], [sflag:$0x2] =	stream.linear.gather [hbm4b:s0+s3], $0x80, $0x38;
	[tilespmem:$0x18400] =	vst v63  }
0x40: {  	s0 =	sadd.s32 s4, s5;
	s5 =	sand.u32 $0x1FFFFFF0, s6;
	s6 =	spop (v2sf)  }
0x41: {  	[tilespmem:s28], [sflag:$0x2] =	stream.linear.gather [hbm4b:s0+s3], $0x80, $0x38;
	[tilespmem:$0x18400] =	vst v63  }
0x42: {  	s0 =	sadd.s32 s4, s2;
	s2 =	sand.u32 $0x1FFFFFF0, s6;
	s6 =	spop (v2sf)  }
0x43: {  	[tilespmem:s25], [sflag:$0x2] =	stream.linear.gather [hbm4b:s0+s3], $0x80, $0x38;
	[tilespmem:$0x18400] =	vst v63  }
0x44: {  	s0 =	sadd.s32 s4, s5;
	s5 =	sand.u32 $0x1FFFFFF0, s6  }
0x45: {  	[tilespmem:s26], [sflag:$0x2] =	stream.linear.gather [hbm4b:s0+s3], $0x80, $0x38;
	[tilespmem:$0x18400] =	vst v63  }
0x46: {  	s2 =	sadd.s32 s4, s2;
	s0 =	sadd.s32 $0x8B00, s21  }
0x47: {  	[tilespmem:s0], [sflag:$0x2] =	stream.linear.gather [hbm4b:s2+s3], $0x80, $0x38;
	[tilespmem:$0x18400] =	vst v63  }
0x48: {  	s0 =	sadd.s32 $0x8B80, s21;
	s2 =	sadd.s32 s4, s5  }
0x49: {  	[tilespmem:s0], [sflag:$0x2] =	stream.linear.gather [hbm4b:s2+s3], $0x80, $0x38;
	[tilespmem:$0x18400] =	vst v63  }
0x4a: {  	v0 =	vld [tilespmem:s22+$0x0];
	_ =	sdelay $0x4  }
0x4b: {  	v0 =	vshll.u32 v0, $0x4  }
0x4c: {  	(v2sf) =	vpush v0, $0x0  }
0x4d: {  	(v2sf) =	vpush v0, $0x1  }
0x4e: {  	(v2sf) =	vpush v0, $0x2;
	_ =	sdelay $0x1  }
0x4f: {  	(v2sf) =	vpush v0, $0x4  }
.Ltmp0:
0x50: {  	(pc) =	sbr.rel @p0 .LBB2_2-.Ltmp0, $3  }
0x51: {  	(v2sf) =	vpush v0, $0x3  }
0x52: {  	(v2sf) =	vpush v0, $0x5;
	_ =	sdelay $0x1  }
0x53: {  	s21 =	sshra.s32 s24, $0x2;
	(v2sf) =	vpush v0, $0x6  }
0x54: {  	_ =	sdelay $0x5  }
0x55: {  	s0 =	spop (v2sf)  }
0x56: {  	s2 =	spop (v2sf)  }
0x57: {  	s31 =	spop (v2sf)  }
0x58: {  	s7 =	spop (v2sf);
	(v2sf) =	vpush v0, $0x7  }
0x59: {  	s0 =	sand.u32 $0x1FFFFFF0, s0  }
0x5a: {  	s5 =	sadd.s32 $0x8400, s21;
	s0 =	sadd.s32 s4, s0  }
0x5b: {  	[tilespmem:s5], [sflag:$0x2] =	stream.linear.gather [hbm4b:s0+s3], $0x80, $0x38;
	[tilespmem:$0x18400] =	vst v63  }
0x5c: {  	s2 =	sand.u32 $0x1FFFFFF0, s2;
	s8 =	spop (v2sf);
	(v2sf) =	vpush v0, $0x8  }
0x5d: {  	s30 =	sadd.s32 $0x8480, s21;
	s2 =	sadd.s32 s4, s2  }
0x5e: {  	[tilespmem:s30], [sflag:$0x2] =	stream.linear.gather [hbm4b:s2+s3], $0x80, $0x38;
	[tilespmem:$0x18400] =	vst v63  }
0x5f: {  	s5 =	sand.u32 $0x1FFFFFF0, s31;
	s19 =	spop (v2sf);
	(v2sf) =	vpush v0, $0x9  }
0x60: {  	s6 =	sadd.s32 $0x8500, s21;
	s0 =	sadd.s32 s4, s5  }
0x61: {  	[tilespmem:s6], [sflag:$0x2] =	stream.linear.gather [hbm4b:s0+s3], $0x80, $0x38;
	[tilespmem:$0x18400] =	vst v63  }
0x62: {  	s0 =	sand.u32 $0x1FFFFFF0, s8;
	s23 =	spop (v2sf);
	(v2sf) =	vpush v0, $0xA  }
0x63: {  	s14 =	sadd.s32 $0x8580, s21;
	s16 =	sand.u32 $0x1FFFFFF0, s7;
	s0 =	sadd.s32 s4, s0  }
0x64: {  	[tilespmem:s14], [sflag:$0x2] =	stream.linear.gather [hbm4b:s0+s3], $0x80, $0x38;
	[tilespmem:$0x18400] =	vst v63  }
0x65: {  	s17 =	sadd.s32 $0x8600, s21;
	s0 =	sadd.s32 s4, s16  }
0x66: {  	[tilespmem:s17], [sflag:$0x2] =	stream.linear.gather [hbm4b:s0+s3], $0x80, $0x38;
	[tilespmem:$0x18400] =	vst v63  }
0x67: {  	s0 =	sand.u32 $0x1FFFFFF0, s19;
	s25 =	spop (v2sf);
	(v2sf) =	vpush v0, $0xB  }
0x68: {  	s22 =	sadd.s32 $0x8680, s21;
	s0 =	sadd.s32 s4, s0  }
0x69: {  	[tilespmem:s22], [sflag:$0x2] =	stream.linear.gather [hbm4b:s0+s3], $0x80, $0x38;
	[tilespmem:$0x18400] =	vst v63  }
0x6a: {  	s0 =	sand.u32 $0x1FFFFFF0, s23  }
0x6b: {  	s24 =	sadd.s32 $0x8700, s21;
	s0 =	sadd.s32 s4, s0;
	s28 =	spop (v2sf);
	(v2sf) =	vpush v0, $0xC  }
0x6c: {  	[tilespmem:s24], [sflag:$0x2] =	stream.linear.gather [hbm4b:s0+s3], $0x80, $0x38;
	[tilespmem:$0x18400] =	vst v63  }
0x6d: {  	s0 =	sand.u32 $0x1FFFFFF0, s25  }
0x6e: {  	s26 =	sadd.s32 $0x8780, s21;
	s0 =	sadd.s32 s4, s0;
	s30 =	spop (v2sf);
	(v2sf) =	vpush v0, $0xD  }
0x6f: {  	[tilespmem:s26], [sflag:$0x2] =	stream.linear.gather [hbm4b:s0+s3], $0x80, $0x38;
	[tilespmem:$0x18400] =	vst v63  }
0x70: {  	s0 =	sand.u32 $0x1FFFFFF0, s28  }
0x71: {  	s29 =	sadd.s32 $0x8800, s21;
	s0 =	sadd.s32 s4, s0;
	s2 =	spop (v2sf);
	(v2sf) =	vpush v0, $0xE  }
0x72: {  	[tilespmem:s29], [sflag:$0x2] =	stream.linear.gather [hbm4b:s0+s3], $0x80, $0x38;
	[tilespmem:$0x18400] =	vst v63  }
0x73: {  	s0 =	sand.u32 $0x1FFFFFF0, s30  }
0x74: {  	s31 =	sadd.s32 $0x8880, s21;
	s0 =	sadd.s32 s4, s0  }
0x75: {  	[tilespmem:s31], [sflag:$0x2] =	stream.linear.gather [hbm4b:s0+s3], $0x80, $0x38;
	[tilespmem:$0x18400] =	vst v63  }
0x76: {  	s0 =	sand.u32 $0x1FFFFFF0, s2;
	s6 =	spop (v2sf);
	(v2sf) =	vpush v0, $0xF  }
0x77: {  	s5 =	sadd.s32 $0x8900, s21;
	s0 =	sadd.s32 s4, s0  }
0x78: {  	[tilespmem:s5], [sflag:$0x2] =	stream.linear.gather [hbm4b:s0+s3], $0x80, $0x38;
	[tilespmem:$0x18400] =	vst v63  }
0x79: {  	s0 =	sand.u32 $0x1FFFFFF0, s6  }
0x7a: {  	s7 =	sadd.s32 $0x8980, s21;
	s0 =	sadd.s32 s4, s0;
	s8 =	spop (v2sf)  }
0x7b: {  	[tilespmem:s7], [sflag:$0x2] =	stream.linear.gather [hbm4b:s0+s3], $0x80, $0x38;
	[tilespmem:$0x18400] =	vst v63  }
0x7c: {  	s0 =	sand.u32 $0x1FFFFFF0, s8  }
0x7d: {  	s14 =	sadd.s32 $0x8A00, s21;
	s16 =	spop (v2sf);
	s0 =	sadd.s32 s4, s0  }
0x7e: {  	[tilespmem:s14], [sflag:$0x2] =	stream.linear.gather [hbm4b:s0+s3], $0x80, $0x38;
	[tilespmem:$0x18400] =	vst v63  }
0x7f: {  	s0 =	sand.u32 $0x1FFFFFF0, s16  }
0x80: {  	s17 =	sadd.s32 $0x8A80, s21;
	s19 =	spop (v2sf);
	s0 =	sadd.s32 s4, s0  }
0x81: {  	[tilespmem:s17], [sflag:$0x2] =	stream.linear.gather [hbm4b:s0+s3], $0x80, $0x38;
	[tilespmem:$0x18400] =	vst v63  }
0x82: {  	s0 =	sand.u32 $0x1FFFFFF0, s19  }
0x83: {  	s22 =	sadd.s32 $0x8B00, s21;
	s0 =	sadd.s32 s4, s0  }
0x84: {  	[tilespmem:s22], [sflag:$0x2] =	stream.linear.gather [hbm4b:s0+s3], $0x80, $0x38;
	[tilespmem:$0x18400] =	vst v63  }
0x85: {  	s23 =	spop (v2sf)  }
0x86: {  	s0 =	sand.u32 $0x1FFFFFF0, s23  }
0x87: {  	s24 =	sadd.s32 $0x8B80, s21;
	s0 =	sadd.s32 s4, s0  }
0x88: {  	[tilespmem:s24], [sflag:$0x2] =	stream.linear.gather [hbm4b:s0+s3], $0x80, $0x38;
	[tilespmem:$0x18400] =	vst v63  }
0x89: {  	_ = 	snop  }
0x8a: {  	[tilespmem:s13], [sflag:$0x1] =	stream.indirect.gather [hbm4b:s1+s12], $0x80, s3, s12, $0xb8;
	[tilespmem:$0x18400] =	vst v63  }
0x8b: {  	s25 =	simm.s32 $0x4400  }
0x8c: {  	[tilespmem:s25], [sflag:$0x1] =	stream.indirect.gather [hbm4b:s1+s12], $0x80, s12, s12, $0xb8;
	[tilespmem:$0x18400] =	vst v63  }
0x8d: {  	_ =	swait.ge [sflag:s15], $0x4000  }
0x8e: {  	[sflag:s15] =	ssyncset.done $0x0  }
0x8f: {  	[sflag:s15] =	ssyncadd.s32 $0xFFFFC000  }
0x90: {  	_ =	swait.ge [sflag:s15], $0x4000  }
0x91: {  	[sflag:s15] =	ssyncset.done $0x0  }
0x92: {  	s26 =	rddreg [dreg:$0x7];
	[sflag:s15] =	ssyncadd.s32 $0xFFFFC000  }
0x93: {  	[hbm4b:s26+s3] =	stream.linear.scatter [tilespmem:s13], [sflag:$0x3], $0x8000, $0x38;
	[tilespmem:$0x18400] =	vst v63  }
0x94: {  	_ =	swait.ge [sflag:s11], $0x8000  }
0x95: {  	[sflag:s11] =	ssyncset.done $0x0  }
0x96: {  	s28 =	simm.s32 $0x100;
	[sflag:s11] =	ssyncadd.s32 $0xFFFF8000  }
0x97: {  	[tilespmem:s13], [sflag:$0x1] =	stream.indirect.gather [hbm4b:s1+s12], $0x80, s28, s12, $0xb8;
	[tilespmem:$0x18400] =	vst v63  }
0x98: {  	s29 =	simm.s32 $0x180  }
0x99: {  	[tilespmem:s25], [sflag:$0x1] =	stream.indirect.gather [hbm4b:s1+s12], $0x80, s29, s12, $0xb8;
	[tilespmem:$0x18400] =	vst v63  }
0x9a: {  	_ =	swait.ge [sflag:s15], $0x4000  }
0x9b: {  	[sflag:s15] =	ssyncset.done $0x0  }
0x9c: {  	[sflag:s15] =	ssyncadd.s32 $0xFFFFC000  }
0x9d: {  	_ =	swait.ge [sflag:s15], $0x4000  }
0x9e: {  	[sflag:s15] =	ssyncset.done $0x0  }
0x9f: {  	s30 =	rddreg [dreg:$0x8];
	[sflag:s15] =	ssyncadd.s32 $0xFFFFC000  }
0xa0: {  	[hbm4b:s30+s3] =	stream.linear.scatter [tilespmem:s13], [sflag:$0x3], $0x8000, $0x38;
	[tilespmem:$0x18400] =	vst v63  }
0xa1: {  	_ =	swait.ge [sflag:s11], $0x8000  }
0xa2: {  	[sflag:s11] =	ssyncset.done $0x0  }
0xa3: {  	[sflag:s11] =	ssyncadd.s32 $0xFFFF8000  }
0xa4: {  	s20 =	sadd.s32 $0x1, s20;
	_ =	swait.ge [sflag:s18], $0x10000  }
0xa5: {  	p0 =	sne.s32 s20, s10;
	[sflag:s18] =	ssyncset.done $0x0  }
.Ltmp1:
0xa6: {  	s31 =	simm.s32 $0x8400;
	[sflag:s18] =	ssyncadd.s32 $0xFFFF0000;
	(pc) =	sbr.rel @p0 .LBB2_1-.Ltmp1, $4  }
0xa7: {  	[hbm4b:s9+s3] =	stream.linear.scatter [tilespmem:s31], [sflag:$0x3], $0x10000, $0x38;
	[tilespmem:$0x18400] =	vst v63  }
0xa8: {  	_ =	swait.ge [sflag:s11], $0x10000  }
0xa9: {  	[sflag:s11] =	ssyncset.done $0x0  }
0xaa: {  	[sflag:s11] =	ssyncadd.s32 $0xFFFF0000  }
0xab: {  	_ =	sfence.sel $0x180000  }
0xac: {  	[bflag:$0x0] =	sbarrier.arrive $0xFFFF  }
0xad: {  	_ =	strace $0x90000047  }
0xae: {  	s0 =	stileid.u32;
	[bflag:$0x2] =	sbarrier.arrive $0xFFFF  }
0xaf: {  	p0 =	sne.s32 s0, $0x0;
	s0 =	rddreg [dreg:$0x4]  }
0xb0: {  	s0 =	sadd.s32 @!p0 $0x100000, s0  }
0xb1: {  	[sflag:s0] =	ssyncadd.tile.s32 @!p0 $0x1;
	_ =	shalt  }
.Lfunc_end2:
_tile_overlayer_lowered:
.L_overlay_start_2:
0xb2: {  	(tag) =	ssettag $0x2  }
0xb3: {  	s0 =	rddreg [dreg:$0x0];
	s2 =	stileid.u32  }
0xb4: {  	s1 =	rddreg [dreg:$0x1];
	p0 =	sne.s32 s2, $0x0  }
0xb5: {  	s3 =	rddreg [dreg:$0x2];
	[bflag:$0x3] =	sbarrier.arrive $0xFFFF;
	s2 =	simm.s32 @!p0 $0x1C03  }
0xb6: {  	[timem:s3], [sflag:s2] =	dma.local @!p0 [hbm:s0], s1  }
0xb7: {  	s0 =	simm.s32 @!p0 $0x3  }
0xb8: {  	_ =	swait.ge @!p0 [sflag:s0], s1  }
0xb9: {  	s1 =	ssub.s32 @!p0 $0x0, s1;
	[sflag:s0] =	ssyncset.done @!p0 $0x0  }
0xba: {  	[sflag:s0] =	ssyncadd.s32 @!p0 s1  }
0xbb: {  	[bflag:$0x3] =	sbarrier.arrive $0xFFFF  }
0xbc: {  	_ =	shalt  }

</sc_bundles>
